<compile_context>
chip_gen: v7x
topology: tpu7x:2x2x1
jax: 0.10.2.dev20260603
libtpu: 0.0.44.dev20260713+nightly
codegen_flags: <defaults>
</compile_context>

<pallas_src>
import functools

import jax
import jax.numpy as jnp
from jax import lax
from jax.experimental import pallas as pl
from jax.experimental.pallas import tpu as pltpu
from jax.experimental.pallas import tpu_sc as plsc

BATCH = 16
N_NODES = 4096
F = 128
NVEC = F // 16
TC_ROWS = 256
SC_ROWS = N_NODES - TC_ROWS
ROWS_PER_W = SC_ROWS // 2
RCHUNK = 240
NCHUNK = ROWS_PER_W // RCHUNK
UNROLL = 2

_mesh = plsc.VectorSubcoreMesh(core_axis_name="c", subcore_axis_name="s")


@functools.partial(
    pl.kernel,
    out_type=jax.ShapeDtypeStruct((BATCH * F,), jnp.float32),
    mesh=_mesh,
    scratch_types=[
        pltpu.VMEM((RCHUNK * F,), jnp.float32),
        pltpu.VMEM((RCHUNK * F,), jnp.float32),
        pltpu.VMEM((F,), jnp.float32),
        pltpu.VMEM((F,), jnp.float32),
        pltpu.VMEM_SHARED((16 * F,), jnp.float32),
        pltpu.SemaphoreType.DMA,
        pltpu.SemaphoreType.DMA,
    ],
)
def _segment_max_sc(x_hbm, out_hbm, buf0, buf1, res, res2, shared, sem0, sem1):
    c = lax.axis_index("c")
    s = lax.axis_index("s")
    b = c * 8 + s // 2
    h = s % 2
    base = (b * N_NODES + TC_ROWS + h * ROWS_PER_W) * F

    bufs = (buf0, buf1)
    sems = (sem0, sem1)

    def start(i, bsel):
        pltpu.async_copy(
            x_hbm.at[pl.ds(base + i * RCHUNK * F, RCHUNK * F)],
            bufs[bsel],
            sems[bsel],
        )

    def wait(bsel):
        pltpu.make_async_copy(
            x_hbm.at[pl.ds(base, RCHUNK * F)], bufs[bsel], sems[bsel]
        ).wait()

    def fold_chunk(buf, acc):
        def body(it, acc):
            for k in range(UNROLL):
                r = it * UNROLL + k
                acc = tuple(
                    jnp.maximum(acc[j], buf[pl.ds(r * F + j * 16, 16)])
                    for j in range(NVEC)
                )
            return acc
        return lax.fori_loop(0, RCHUNK // UNROLL, body, acc)

    acc = tuple(jnp.full((16,), -jnp.inf, jnp.float32) for _ in range(NVEC))
    start(0, 0)
    start(1, 1)

    def pair_body(i, acc):
        wait(0)
        acc = fold_chunk(buf0, acc)

        @pl.when(2 * i + 2 < NCHUNK)
        def _():
            start(2 * i + 2, 0)

        wait(1)
        acc = fold_chunk(buf1, acc)

        @pl.when(2 * i + 3 < NCHUNK)
        def _():
            start(2 * i + 3, 1)

        return acc

    acc = lax.fori_loop(0, NCHUNK // 2, pair_body, acc)

    for j in range(NVEC):
        res[pl.ds(j * 16, 16)] = acc[j]
    pltpu.sync_copy(res, shared.at[pl.ds(s * F, F)])
    plsc.subcore_barrier()

    @pl.when(h == 0)
    def _():
        pltpu.sync_copy(shared.at[pl.ds((s + 1) * F, F)], res2)
        for j in range(NVEC):
            res[pl.ds(j * 16, 16)] = jnp.maximum(
                res[pl.ds(j * 16, 16)], res2[pl.ds(j * 16, 16)]
            )
        pltpu.sync_copy(res, out_hbm.at[pl.ds(b * F, F)])


def _copy_and_head_max(f_ref, x_ref, o_ref, p_ref):
    o_ref[...] = f_ref[...]
    p_ref[0, 0, :] = jnp.max(x_ref[0], axis=0)


_tc_part = pl.pallas_call(
    _copy_and_head_max,
    grid=(BATCH,),
    in_specs=[
        pl.BlockSpec((1, N_NODES, F), lambda i: (i, 0, 0)),
        pl.BlockSpec((1, TC_ROWS, F), lambda i: (i, 0, 0)),
    ],
    out_specs=[
        pl.BlockSpec((1, N_NODES, F), lambda i: (i, 0, 0)),
        pl.BlockSpec((1, 1, F), lambda i: (i, 0, 0)),
    ],
    out_shape=[
        jax.ShapeDtypeStruct((BATCH, N_NODES, F), jnp.float32),
        jax.ShapeDtypeStruct((BATCH, 1, F), jnp.float32),
    ],
)


def kernel(filtres, X):
    sc_pooled = _segment_max_sc(X.reshape(-1))
    filtres_out, head_max = _tc_part(filtres, X)
    pooled = jnp.maximum(sc_pooled.reshape(BATCH, F), head_max.reshape(BATCH, F))
    return (filtres_out, pooled)

# --- scband reference (transcript-rebuilt; emitter-appended) ---
"""Pipeline reference for scband-simple-pool-77214922048246 (READ-ONLY COPY).

The authoritative reference and input builder live on the scoring server;
editing this copy changes nothing except your own understanding.
"""

import jax, jax.numpy as jnp
import numpy as np

BATCH = 16
IN_SIZE = 4096
F_PRIME = 128


def setup_inputs(seed: int = 0) -> dict:
    key = jax.random.key(seed)
    k1, k2 = jax.random.split(key)
    filtres = jax.random.normal(k1, (BATCH, IN_SIZE, F_PRIME), dtype=jnp.float32)
    X = jax.random.normal(k2, (BATCH, IN_SIZE, F_PRIME), dtype=jnp.float32)
    return {"filtres": filtres, "X": X}


def reference(filtres, X):
    # segment_ids: repeat batch index b, IN_SIZE times each -> [BATCH*IN_SIZE]
    segment_ids = jnp.repeat(jnp.arange(BATCH, dtype=jnp.int32), IN_SIZE)
    Xf = X.reshape(-1, F_PRIME)
    # mode == 'max' -> segment_max over nodes of each batch element
    pooled = jax.ops.segment_max(Xf, segment_ids, num_segments=BATCH)
    return (filtres, pooled)

if __name__ == "__main__":
    import jax
    _d = setup_inputs()
    print(jax.jit(kernel)(*tuple(_d.values())))

</pallas_src>

<mosaic_0001>
#map = affine_map<(d0, d1) -> (0)>
module attributes {stable_mosaic.version = 14 : i64} {
  func.func @_segment_max_sc(%arg0: i32, %arg1: i32, %arg2: memref<8388608xf32, #tpu.memory_space<hbm>>, %arg3: memref<2048xf32, #tpu.memory_space<hbm>>, %arg4: memref<30720xf32, #tpu.memory_space<vmem>>, %arg5: memref<30720xf32, #tpu.memory_space<vmem>>, %arg6: memref<128xf32, #tpu.memory_space<vmem>>, %arg7: memref<128xf32, #tpu.memory_space<vmem>>, %arg8: memref<2048xf32, #tpu.memory_space<vmem_shared>>, %arg9: memref<!tpu.dma_semaphore, #tpu.memory_space<semaphore_mem>>, %arg10: memref<!tpu.dma_semaphore, #tpu.memory_space<semaphore_mem>>) attributes {dimension_semantics = [#tpu.dimension_semantics<core_parallel>, #tpu.dimension_semantics<subcore_parallel>], iteration_bounds = array<i64: 2, 16>, scalar_prefetch = 0 : i64, scratch_operands = 7 : i64, tpu.core_type = #tpu.core_type<sc_vector_subcore>, window_params = [{transform_indices = #map}, {transform_indices = #map}]} {
    %mul3A = arith.constant 8 : i32
    %mul3A_0 = arith.muli %arg0, %mul3A : i32
    %jit3A = arith.constant 2 : i32
    %div3A = arith.divsi %arg1, %jit3A : i32
    %sign3A = arith.constant 0 : i32
    %sign3A_1 = arith.cmpi sgt, %arg1, %sign3A : i32
    %sign3A_2 = arith.extui %sign3A_1 : i1 to i32
    %sign3A_3 = arith.constant 0 : i32
    %sign3A_4 = arith.cmpi slt, %arg1, %sign3A_3 : i32
    %sign3A_5 = arith.extui %sign3A_4 : i1 to i32
    %sign3A_6 = arith.subi %sign3A_2, %sign3A_5 : i32
    %sign3A_7 = arith.constant 0 : i32
    %sign3A_8 = arith.cmpi sgt, %jit3A, %sign3A_7 : i32
    %sign3A_9 = arith.extui %sign3A_8 : i1 to i32
    %sign3A_10 = arith.constant 0 : i32
    %sign3A_11 = arith.cmpi slt, %jit3A, %sign3A_10 : i32
    %sign3A_12 = arith.extui %sign3A_11 : i1 to i32
    %sign3A_13 = arith.subi %sign3A_9, %sign3A_12 : i32
    %ne3A = arith.cmpi ne, %sign3A_6, %sign3A_13 : i32
    %rem3A = arith.remsi %arg1, %jit3A : i32
    %ne3A_14 = arith.constant 0 : i32
    %ne3A_15 = arith.cmpi ne, %rem3A, %ne3A_14 : i32
    %and3A = arith.andi %ne3A, %ne3A_15 : i1
    %sub3A = arith.constant 1 : i32
    %sub3A_16 = arith.subi %div3A, %sub3A : i32
    %select_n3A = arith.select %and3A, %sub3A_16, %div3A : i32
    %add3A = arith.addi %mul3A_0, %select_n3A : i32
    %jit3A_17 = arith.constant 2 : i32
    %eq3A = arith.constant 0 : i32
    %eq3A_18 = arith.cmpi eq, %jit3A_17, %eq3A : i32
    %jit3A_19 = arith.constant 1 : i32
    %select_n3A_20 = arith.select %eq3A_18, %jit3A_19, %jit3A_17 : i32
    %rem3A_21 = arith.remsi %arg1, %select_n3A_20 : i32
    %ne3A_22 = arith.constant 0 : i32
    %ne3A_23 = arith.cmpi ne, %rem3A_21, %ne3A_22 : i32
    %lt3A = arith.constant 0 : i32
    %lt3A_24 = arith.cmpi slt, %rem3A_21, %lt3A : i32
    %lt3A_25 = arith.constant 0 : i32
    %lt3A_26 = arith.cmpi slt, %select_n3A_20, %lt3A_25 : i32
    %ne3A_27 = arith.xori %lt3A_24, %lt3A_26 : i1
    %and3A_28 = arith.andi %ne3A_27, %ne3A_23 : i1
    %add3A_29 = arith.addi %rem3A_21, %select_n3A_20 : i32
    %select_n3A_30 = arith.select %and3A_28, %add3A_29, %rem3A_21 : i32
    %mul3A_31 = arith.constant 4096 : i32
    %mul3A_32 = arith.muli %add3A, %mul3A_31 : i32
    %add3A_33 = arith.constant 256 : i32
    %add3A_34 = arith.addi %mul3A_32, %add3A_33 : i32
    %mul3A_35 = arith.constant 1920 : i32
    %mul3A_36 = arith.muli %select_n3A_30, %mul3A_35 : i32
    %add3A_37 = arith.addi %add3A_34, %mul3A_36 : i32
    %mul3A_38 = arith.constant 128 : i32
    %mul3A_39 = arith.muli %add3A_37, %mul3A_38 : i32
    %broadcast_in_dim3A = arith.constant 0xFF800000 : f32
    %broadcast_in_dim3A_40 = vector.broadcast %broadcast_in_dim3A : f32 to vector<16xf32>
    %broadcast_in_dim3A_41 = arith.constant 0xFF800000 : f32
    %broadcast_in_dim3A_42 = vector.broadcast %broadcast_in_dim3A_41 : f32 to vector<16xf32>
    %broadcast_in_dim3A_43 = arith.constant 0xFF800000 : f32
    %broadcast_in_dim3A_44 = vector.broadcast %broadcast_in_dim3A_43 : f32 to vector<16xf32>
    %broadcast_in_dim3A_45 = arith.constant 0xFF800000 : f32
    %broadcast_in_dim3A_46 = vector.broadcast %broadcast_in_dim3A_45 : f32 to vector<16xf32>
    %broadcast_in_dim3A_47 = arith.constant 0xFF800000 : f32
    %broadcast_in_dim3A_48 = vector.broadcast %broadcast_in_dim3A_47 : f32 to vector<16xf32>
    %broadcast_in_dim3A_49 = arith.constant 0xFF800000 : f32
    %broadcast_in_dim3A_50 = vector.broadcast %broadcast_in_dim3A_49 : f32 to vector<16xf32>
    %broadcast_in_dim3A_51 = arith.constant 0xFF800000 : f32
    %broadcast_in_dim3A_52 = vector.broadcast %broadcast_in_dim3A_51 : f32 to vector<16xf32>
    %broadcast_in_dim3A_53 = arith.constant 0xFF800000 : f32
    %broadcast_in_dim3A_54 = vector.broadcast %broadcast_in_dim3A_53 : f32 to vector<16xf32>
    %add3A_55 = arith.constant 0 : i32
    %add3A_56 = arith.addi %mul3A_39, %add3A_55 : i32
    %dma_start3A = tpu.memref_slice %arg2[%add3A_56] : memref<8388608xf32, #tpu.memory_space<hbm>> -> memref<30720xf32, #tpu.memory_space<hbm>>
    %dma_start3A_57 = tpu.memref_slice %arg2[%add3A_56] : memref<8388608xf32, #tpu.memory_space<hbm>> -> memref<30720xf32, #tpu.memory_space<hbm>>
    tpu.enqueue_dma source(%dma_start3A_57 : memref<30720xf32, #tpu.memory_space<hbm>>) target(%arg4 : memref<30720xf32, #tpu.memory_space<vmem>>) target_semaphore(%arg9 : memref<!tpu.dma_semaphore, #tpu.memory_space<semaphore_mem>>)
    %add3A_58 = arith.constant 30720 : i32
    %add3A_59 = arith.addi %mul3A_39, %add3A_58 : i32
    %dma_start3A_60 = tpu.memref_slice %arg2[%add3A_59] : memref<8388608xf32, #tpu.memory_space<hbm>> -> memref<30720xf32, #tpu.memory_space<hbm>>
    %dma_start3A_61 = tpu.memref_slice %arg2[%add3A_59] : memref<8388608xf32, #tpu.memory_space<hbm>> -> memref<30720xf32, #tpu.memory_space<hbm>>
    tpu.enqueue_dma source(%dma_start3A_61 : memref<30720xf32, #tpu.memory_space<hbm>>) target(%arg5 : memref<30720xf32, #tpu.memory_space<vmem>>) target_semaphore(%arg10 : memref<!tpu.dma_semaphore, #tpu.memory_space<semaphore_mem>>)
    %scan3A = arith.constant 0 : i32
    %scan3A_62 = arith.constant 4 : i32
    %scan3A_63 = arith.addi %scan3A, %scan3A_62 : i32
    %scan3A_64 = arith.constant 1 : i32
    %scan3A_65:8 = scf.for %scan3A_103 = %scan3A to %scan3A_63 step %scan3A_64 iter_args(%scan3A_104 = %broadcast_in_dim3A_40, %scan3A_105 = %broadcast_in_dim3A_42, %scan3A_106 = %broadcast_in_dim3A_44, %scan3A_107 = %broadcast_in_dim3A_46, %scan3A_108 = %broadcast_in_dim3A_48, %scan3A_109 = %broadcast_in_dim3A_50, %scan3A_110 = %broadcast_in_dim3A_52, %scan3A_111 = %broadcast_in_dim3A_54) -> (vector<16xf32>, vector<16xf32>, vector<16xf32>, vector<16xf32>, vector<16xf32>, vector<16xf32>, vector<16xf32>, vector<16xf32>)  : i32 {
      %dma_wait3A = tpu.memref_slice %arg2[%mul3A_39] : memref<8388608xf32, #tpu.memory_space<hbm>> -> memref<30720xf32, #tpu.memory_space<hbm>>
      %dma_wait3A_112 = tpu.memref_slice %arg2[%mul3A_39] : memref<8388608xf32, #tpu.memory_space<hbm>> -> memref<30720xf32, #tpu.memory_space<hbm>>
      tpu.wait_dma2 semaphore(%arg9 : memref<!tpu.dma_semaphore, #tpu.memory_space<semaphore_mem>>) src(%dma_wait3A_112 : memref<30720xf32, #tpu.memory_space<hbm>>) dst(%arg4 : memref<30720xf32, #tpu.memory_space<vmem>>)
      %scan3A_113 = arith.constant 0 : i32
      %scan3A_114 = arith.constant 120 : i32
      %scan3A_115 = arith.addi %scan3A_113, %scan3A_114 : i32
      %scan3A_116 = arith.constant 1 : i32
      %scan3A_117:8 = scf.for %scan3A_145 = %scan3A_113 to %scan3A_115 step %scan3A_116 iter_args(%scan3A_146 = %scan3A_104, %scan3A_147 = %scan3A_105, %scan3A_148 = %scan3A_106, %scan3A_149 = %scan3A_107, %scan3A_150 = %scan3A_108, %scan3A_151 = %scan3A_109, %scan3A_152 = %scan3A_110, %scan3A_153 = %scan3A_111) -> (vector<16xf32>, vector<16xf32>, vector<16xf32>, vector<16xf32>, vector<16xf32>, vector<16xf32>, vector<16xf32>, vector<16xf32>)  : i32 {
        %mul3A_154 = arith.constant 2 : i32
        %mul3A_155 = arith.muli %scan3A_145, %mul3A_154 : i32
        %add3A_156 = arith.constant 0 : i32
        %add3A_157 = arith.addi %mul3A_155, %add3A_156 : i32
        %mul3A_158 = arith.constant 128 : i32
        %mul3A_159 = arith.muli %add3A_157, %mul3A_158 : i32
        %add3A_160 = arith.constant 0 : i32
        %add3A_161 = arith.addi %mul3A_159, %add3A_160 : i32
        %get3A = arith.index_cast %add3A_161 : i32 to index
        %get3A_162 = tpu.vector_load %arg4[%get3A] {strides = array<i32>} : memref<30720xf32, #tpu.memory_space<vmem>>, vector<16xf32>,
        %get3A_163 = vector.shape_cast %get3A_162 : vector<16xf32> to vector<16xf32>
        %max3A = arith.maximumf %scan3A_146, %get3A_163 : vector<16xf32>
        %mul3A_164 = arith.constant 128 : i32
        %mul3A_165 = arith.muli %add3A_157, %mul3A_164 : i32
        %add3A_166 = arith.constant 16 : i32
        %add3A_167 = arith.addi %mul3A_165, %add3A_166 : i32
        %get3A_168 = arith.index_cast %add3A_167 : i32 to index
        %get3A_169 = tpu.vector_load %arg4[%get3A_168] {strides = array<i32>} : memref<30720xf32, #tpu.memory_space<vmem>>, vector<16xf32>,
        %get3A_170 = vector.shape_cast %get3A_169 : vector<16xf32> to vector<16xf32>
        %max3A_171 = arith.maximumf %scan3A_147, %get3A_170 : vector<16xf32>
        %mul3A_172 = arith.constant 128 : i32
        %mul3A_173 = arith.muli %add3A_157, %mul3A_172 : i32
        %add3A_174 = arith.constant 32 : i32
        %add3A_175 = arith.addi %mul3A_173, %add3A_174 : i32
        %get3A_176 = arith.index_cast %add3A_175 : i32 to index
        %get3A_177 = tpu.vector_load %arg4[%get3A_176] {strides = array<i32>} : memref<30720xf32, #tpu.memory_space<vmem>>, vector<16xf32>,
        %get3A_178 = vector.shape_cast %get3A_177 : vector<16xf32> to vector<16xf32>
        %max3A_179 = arith.maximumf %scan3A_148, %get3A_178 : vector<16xf32>
        %mul3A_180 = arith.constant 128 : i32
        %mul3A_181 = arith.muli %add3A_157, %mul3A_180 : i32
        %add3A_182 = arith.constant 48 : i32
        %add3A_183 = arith.addi %mul3A_181, %add3A_182 : i32
        %get3A_184 = arith.index_cast %add3A_183 : i32 to index
        %get3A_185 = tpu.vector_load %arg4[%get3A_184] {strides = array<i32>} : memref<30720xf32, #tpu.memory_space<vmem>>, vector<16xf32>,
        %get3A_186 = vector.shape_cast %get3A_185 : vector<16xf32> to vector<16xf32>
        %max3A_187 = arith.maximumf %scan3A_149, %get3A_186 : vector<16xf32>
        %mul3A_188 = arith.constant 128 : i32
        %mul3A_189 = arith.muli %add3A_157, %mul3A_188 : i32
        %add3A_190 = arith.constant 64 : i32
        %add3A_191 = arith.addi %mul3A_189, %add3A_190 : i32
        %get3A_192 = arith.index_cast %add3A_191 : i32 to index
        %get3A_193 = tpu.vector_load %arg4[%get3A_192] {strides = array<i32>} : memref<30720xf32, #tpu.memory_space<vmem>>, vector<16xf32>,
        %get3A_194 = vector.shape_cast %get3A_193 : vector<16xf32> to vector<16xf32>
        %max3A_195 = arith.maximumf %scan3A_150, %get3A_194 : vector<16xf32>
        %mul3A_196 = arith.constant 128 : i32
        %mul3A_197 = arith.muli %add3A_157, %mul3A_196 : i32
        %add3A_198 = arith.constant 80 : i32
        %add3A_199 = arith.addi %mul3A_197, %add3A_198 : i32
        %get3A_200 = arith.index_cast %add3A_199 : i32 to index
        %get3A_201 = tpu.vector_load %arg4[%get3A_200] {strides = array<i32>} : memref<30720xf32, #tpu.memory_space<vmem>>, vector<16xf32>,
        %get3A_202 = vector.shape_cast %get3A_201 : vector<16xf32> to vector<16xf32>
        %max3A_203 = arith.maximumf %scan3A_151, %get3A_202 : vector<16xf32>
        %mul3A_204 = arith.constant 128 : i32
        %mul3A_205 = arith.muli %add3A_157, %mul3A_204 : i32
        %add3A_206 = arith.constant 96 : i32
        %add3A_207 = arith.addi %mul3A_205, %add3A_206 : i32
        %get3A_208 = arith.index_cast %add3A_207 : i32 to index
        %get3A_209 = tpu.vector_load %arg4[%get3A_208] {strides = array<i32>} : memref<30720xf32, #tpu.memory_space<vmem>>, vector<16xf32>,
        %get3A_210 = vector.shape_cast %get3A_209 : vector<16xf32> to vector<16xf32>
        %max3A_211 = arith.maximumf %scan3A_152, %get3A_210 : vector<16xf32>
        %mul3A_212 = arith.constant 128 : i32
        %mul3A_213 = arith.muli %add3A_157, %mul3A_212 : i32
        %add3A_214 = arith.constant 112 : i32
        %add3A_215 = arith.addi %mul3A_213, %add3A_214 : i32
        %get3A_216 = arith.index_cast %add3A_215 : i32 to index
        %get3A_217 = tpu.vector_load %arg4[%get3A_216] {strides = array<i32>} : memref<30720xf32, #tpu.memory_space<vmem>>, vector<16xf32>,
        %get3A_218 = vector.shape_cast %get3A_217 : vector<16xf32> to vector<16xf32>
        %max3A_219 = arith.maximumf %scan3A_153, %get3A_218 : vector<16xf32>
        %mul3A_220 = arith.constant 2 : i32
        %mul3A_221 = arith.muli %scan3A_145, %mul3A_220 : i32
        %add3A_222 = arith.constant 1 : i32
        %add3A_223 = arith.addi %mul3A_221, %add3A_222 : i32
        %mul3A_224 = arith.constant 128 : i32
        %mul3A_225 = arith.muli %add3A_223, %mul3A_224 : i32
        %add3A_226 = arith.constant 0 : i32
        %add3A_227 = arith.addi %mul3A_225, %add3A_226 : i32
        %get3A_228 = arith.index_cast %add3A_227 : i32 to index
        %get3A_229 = tpu.vector_load %arg4[%get3A_228] {strides = array<i32>} : memref<30720xf32, #tpu.memory_space<vmem>>, vector<16xf32>,
        %get3A_230 = vector.shape_cast %get3A_229 : vector<16xf32> to vector<16xf32>
        %max3A_231 = arith.maximumf %max3A, %get3A_230 : vector<16xf32>
        %mul3A_232 = arith.constant 128 : i32
        %mul3A_233 = arith.muli %add3A_223, %mul3A_232 : i32
        %add3A_234 = arith.constant 16 : i32
        %add3A_235 = arith.addi %mul3A_233, %add3A_234 : i32
        %get3A_236 = arith.index_cast %add3A_235 : i32 to index
        %get3A_237 = tpu.vector_load %arg4[%get3A_236] {strides = array<i32>} : memref<30720xf32, #tpu.memory_space<vmem>>, vector<16xf32>,
        %get3A_238 = vector.shape_cast %get3A_237 : vector<16xf32> to vector<16xf32>
        %max3A_239 = arith.maximumf %max3A_171, %get3A_238 : vector<16xf32>
        %mul3A_240 = arith.constant 128 : i32
        %mul3A_241 = arith.muli %add3A_223, %mul3A_240 : i32
        %add3A_242 = arith.constant 32 : i32
        %add3A_243 = arith.addi %mul3A_241, %add3A_242 : i32
        %get3A_244 = arith.index_cast %add3A_243 : i32 to index
        %get3A_245 = tpu.vector_load %arg4[%get3A_244] {strides = array<i32>} : memref<30720xf32, #tpu.memory_space<vmem>>, vector<16xf32>,
        %get3A_246 = vector.shape_cast %get3A_245 : vector<16xf32> to vector<16xf32>
        %max3A_247 = arith.maximumf %max3A_179, %get3A_246 : vector<16xf32>
        %mul3A_248 = arith.constant 128 : i32
        %mul3A_249 = arith.muli %add3A_223, %mul3A_248 : i32
        %add3A_250 = arith.constant 48 : i32
        %add3A_251 = arith.addi %mul3A_249, %add3A_250 : i32
        %get3A_252 = arith.index_cast %add3A_251 : i32 to index
        %get3A_253 = tpu.vector_load %arg4[%get3A_252] {strides = array<i32>} : memref<30720xf32, #tpu.memory_space<vmem>>, vector<16xf32>,
        %get3A_254 = vector.shape_cast %get3A_253 : vector<16xf32> to vector<16xf32>
        %max3A_255 = arith.maximumf %max3A_187, %get3A_254 : vector<16xf32>
        %mul3A_256 = arith.constant 128 : i32
        %mul3A_257 = arith.muli %add3A_223, %mul3A_256 : i32
        %add3A_258 = arith.constant 64 : i32
        %add3A_259 = arith.addi %mul3A_257, %add3A_258 : i32
        %get3A_260 = arith.index_cast %add3A_259 : i32 to index
        %get3A_261 = tpu.vector_load %arg4[%get3A_260] {strides = array<i32>} : memref<30720xf32, #tpu.memory_space<vmem>>, vector<16xf32>,
        %get3A_262 = vector.shape_cast %get3A_261 : vector<16xf32> to vector<16xf32>
        %max3A_263 = arith.maximumf %max3A_195, %get3A_262 : vector<16xf32>
        %mul3A_264 = arith.constant 128 : i32
        %mul3A_265 = arith.muli %add3A_223, %mul3A_264 : i32
        %add3A_266 = arith.constant 80 : i32
        %add3A_267 = arith.addi %mul3A_265, %add3A_266 : i32
        %get3A_268 = arith.index_cast %add3A_267 : i32 to index
        %get3A_269 = tpu.vector_load %arg4[%get3A_268] {strides = array<i32>} : memref<30720xf32, #tpu.memory_space<vmem>>, vector<16xf32>,
        %get3A_270 = vector.shape_cast %get3A_269 : vector<16xf32> to vector<16xf32>
        %max3A_271 = arith.maximumf %max3A_203, %get3A_270 : vector<16xf32>
        %mul3A_272 = arith.constant 128 : i32
        %mul3A_273 = arith.muli %add3A_223, %mul3A_272 : i32
        %add3A_274 = arith.constant 96 : i32
        %add3A_275 = arith.addi %mul3A_273, %add3A_274 : i32
        %get3A_276 = arith.index_cast %add3A_275 : i32 to index
        %get3A_277 = tpu.vector_load %arg4[%get3A_276] {strides = array<i32>} : memref<30720xf32, #tpu.memory_space<vmem>>, vector<16xf32>,
        %get3A_278 = vector.shape_cast %get3A_277 : vector<16xf32> to vector<16xf32>
        %max3A_279 = arith.maximumf %max3A_211, %get3A_278 : vector<16xf32>
        %mul3A_280 = arith.constant 128 : i32
        %mul3A_281 = arith.muli %add3A_223, %mul3A_280 : i32
        %add3A_282 = arith.constant 112 : i32
        %add3A_283 = arith.addi %mul3A_281, %add3A_282 : i32
        %get3A_284 = arith.index_cast %add3A_283 : i32 to index
        %get3A_285 = tpu.vector_load %arg4[%get3A_284] {strides = array<i32>} : memref<30720xf32, #tpu.memory_space<vmem>>, vector<16xf32>,
        %get3A_286 = vector.shape_cast %get3A_285 : vector<16xf32> to vector<16xf32>
        %max3A_287 = arith.maximumf %max3A_219, %get3A_286 : vector<16xf32>
        scf.yield %max3A_231, %max3A_239, %max3A_247, %max3A_255, %max3A_263, %max3A_271, %max3A_279, %max3A_287 : vector<16xf32>, vector<16xf32>, vector<16xf32>, vector<16xf32>, vector<16xf32>, vector<16xf32>, vector<16xf32>, vector<16xf32>
      }
      %scan3A_118 = arith.constant 120 : i32
      %mul3A_119 = arith.constant 2 : i32
      %mul3A_120 = arith.muli %mul3A_119, %scan3A_103 : i32
      %add3A_121 = arith.constant 2 : i32
      %add3A_122 = arith.addi %mul3A_120, %add3A_121 : i32
      %lt3A_123 = arith.constant 8 : i32
      %lt3A_124 = arith.cmpi slt, %add3A_122, %lt3A_123 : i32
      %convert_element_type3A_125 = arith.extui %lt3A_124 : i1 to i32
      %cond3A_126 = arith.constant 0 : i32
      %cond3A_127 = arith.cmpi ne, %convert_element_type3A_125, %cond3A_126 : i32
      scf.if %cond3A_127 {
        %mul3A_145 = arith.constant 2 : i32
        %mul3A_146 = arith.muli %mul3A_145, %scan3A_103 : i32
        %add3A_147 = arith.constant 2 : i32
        %add3A_148 = arith.addi %mul3A_146, %add3A_147 : i32
        %mul3A_149 = arith.constant 240 : i32
        %mul3A_150 = arith.muli %add3A_148, %mul3A_149 : i32
        %mul3A_151 = arith.constant 128 : i32
        %mul3A_152 = arith.muli %mul3A_150, %mul3A_151 : i32
        %add3A_153 = arith.addi %mul3A_39, %mul3A_152 : i32
        %dma_start3A_154 = tpu.memref_slice %arg2[%add3A_153] : memref<8388608xf32, #tpu.memory_space<hbm>> -> memref<30720xf32, #tpu.memory_space<hbm>>
        %dma_start3A_155 = tpu.memref_slice %arg2[%add3A_153] : memref<8388608xf32, #tpu.memory_space<hbm>> -> memref<30720xf32, #tpu.memory_space<hbm>>
        tpu.enqueue_dma source(%dma_start3A_155 : memref<30720xf32, #tpu.memory_space<hbm>>) target(%arg4 : memref<30720xf32, #tpu.memory_space<vmem>>) target_semaphore(%arg9 : memref<!tpu.dma_semaphore, #tpu.memory_space<semaphore_mem>>)
      } else {
      }
      %dma_wait3A_128 = tpu.memref_slice %arg2[%mul3A_39] : memref<8388608xf32, #tpu.memory_space<hbm>> -> memref<30720xf32, #tpu.memory_space<hbm>>
      %dma_wait3A_129 = tpu.memref_slice %arg2[%mul3A_39] : memref<8388608xf32, #tpu.memory_space<hbm>> -> memref<30720xf32, #tpu.memory_space<hbm>>
      tpu.wait_dma2 semaphore(%arg10 : memref<!tpu.dma_semaphore, #tpu.memory_space<semaphore_mem>>) src(%dma_wait3A_129 : memref<30720xf32, #tpu.memory_space<hbm>>) dst(%arg5 : memref<30720xf32, #tpu.memory_space<vmem>>)
      %scan3A_130 = arith.constant 0 : i32
      %scan3A_131 = arith.constant 120 : i32
      %scan3A_132 = arith.addi %scan3A_130, %scan3A_131 : i32
      %scan3A_133 = arith.constant 1 : i32
      %scan3A_134:8 = scf.for %scan3A_145 = %scan3A_130 to %scan3A_132 step %scan3A_133 iter_args(%scan3A_146 = %scan3A_117#0, %scan3A_147 = %scan3A_117#1, %scan3A_148 = %scan3A_117#2, %scan3A_149 = %scan3A_117#3, %scan3A_150 = %scan3A_117#4, %scan3A_151 = %scan3A_117#5, %scan3A_152 = %scan3A_117#6, %scan3A_153 = %scan3A_117#7) -> (vector<16xf32>, vector<16xf32>, vector<16xf32>, vector<16xf32>, vector<16xf32>, vector<16xf32>, vector<16xf32>, vector<16xf32>)  : i32 {
        %mul3A_154 = arith.constant 2 : i32
        %mul3A_155 = arith.muli %scan3A_145, %mul3A_154 : i32
        %add3A_156 = arith.constant 0 : i32
        %add3A_157 = arith.addi %mul3A_155, %add3A_156 : i32
        %mul3A_158 = arith.constant 128 : i32
        %mul3A_159 = arith.muli %add3A_157, %mul3A_158 : i32
        %add3A_160 = arith.constant 0 : i32
        %add3A_161 = arith.addi %mul3A_159, %add3A_160 : i32
        %get3A = arith.index_cast %add3A_161 : i32 to index
        %get3A_162 = tpu.vector_load %arg5[%get3A] {strides = array<i32>} : memref<30720xf32, #tpu.memory_space<vmem>>, vector<16xf32>,
        %get3A_163 = vector.shape_cast %get3A_162 : vector<16xf32> to vector<16xf32>
        %max3A = arith.maximumf %scan3A_146, %get3A_163 : vector<16xf32>
        %mul3A_164 = arith.constant 128 : i32
        %mul3A_165 = arith.muli %add3A_157, %mul3A_164 : i32
        %add3A_166 = arith.constant 16 : i32
        %add3A_167 = arith.addi %mul3A_165, %add3A_166 : i32
        %get3A_168 = arith.index_cast %add3A_167 : i32 to index
        %get3A_169 = tpu.vector_load %arg5[%get3A_168] {strides = array<i32>} : memref<30720xf32, #tpu.memory_space<vmem>>, vector<16xf32>,
        %get3A_170 = vector.shape_cast %get3A_169 : vector<16xf32> to vector<16xf32>
        %max3A_171 = arith.maximumf %scan3A_147, %get3A_170 : vector<16xf32>
        %mul3A_172 = arith.constant 128 : i32
        %mul3A_173 = arith.muli %add3A_157, %mul3A_172 : i32
        %add3A_174 = arith.constant 32 : i32
        %add3A_175 = arith.addi %mul3A_173, %add3A_174 : i32
        %get3A_176 = arith.index_cast %add3A_175 : i32 to index
        %get3A_177 = tpu.vector_load %arg5[%get3A_176] {strides = array<i32>} : memref<30720xf32, #tpu.memory_space<vmem>>, vector<16xf32>,
        %get3A_178 = vector.shape_cast %get3A_177 : vector<16xf32> to vector<16xf32>
        %max3A_179 = arith.maximumf %scan3A_148, %get3A_178 : vector<16xf32>
        %mul3A_180 = arith.constant 128 : i32
        %mul3A_181 = arith.muli %add3A_157, %mul3A_180 : i32
        %add3A_182 = arith.constant 48 : i32
        %add3A_183 = arith.addi %mul3A_181, %add3A_182 : i32
        %get3A_184 = arith.index_cast %add3A_183 : i32 to index
        %get3A_185 = tpu.vector_load %arg5[%get3A_184] {strides = array<i32>} : memref<30720xf32, #tpu.memory_space<vmem>>, vector<16xf32>,
        %get3A_186 = vector.shape_cast %get3A_185 : vector<16xf32> to vector<16xf32>
        %max3A_187 = arith.maximumf %scan3A_149, %get3A_186 : vector<16xf32>
        %mul3A_188 = arith.constant 128 : i32
        %mul3A_189 = arith.muli %add3A_157, %mul3A_188 : i32
        %add3A_190 = arith.constant 64 : i32
        %add3A_191 = arith.addi %mul3A_189, %add3A_190 : i32
        %get3A_192 = arith.index_cast %add3A_191 : i32 to index
        %get3A_193 = tpu.vector_load %arg5[%get3A_192] {strides = array<i32>} : memref<30720xf32, #tpu.memory_space<vmem>>, vector<16xf32>,
        %get3A_194 = vector.shape_cast %get3A_193 : vector<16xf32> to vector<16xf32>
        %max3A_195 = arith.maximumf %scan3A_150, %get3A_194 : vector<16xf32>
        %mul3A_196 = arith.constant 128 : i32
        %mul3A_197 = arith.muli %add3A_157, %mul3A_196 : i32
        %add3A_198 = arith.constant 80 : i32
        %add3A_199 = arith.addi %mul3A_197, %add3A_198 : i32
        %get3A_200 = arith.index_cast %add3A_199 : i32 to index
        %get3A_201 = tpu.vector_load %arg5[%get3A_200] {strides = array<i32>} : memref<30720xf32, #tpu.memory_space<vmem>>, vector<16xf32>,
        %get3A_202 = vector.shape_cast %get3A_201 : vector<16xf32> to vector<16xf32>
        %max3A_203 = arith.maximumf %scan3A_151, %get3A_202 : vector<16xf32>
        %mul3A_204 = arith.constant 128 : i32
        %mul3A_205 = arith.muli %add3A_157, %mul3A_204 : i32
        %add3A_206 = arith.constant 96 : i32
        %add3A_207 = arith.addi %mul3A_205, %add3A_206 : i32
        %get3A_208 = arith.index_cast %add3A_207 : i32 to index
        %get3A_209 = tpu.vector_load %arg5[%get3A_208] {strides = array<i32>} : memref<30720xf32, #tpu.memory_space<vmem>>, vector<16xf32>,
        %get3A_210 = vector.shape_cast %get3A_209 : vector<16xf32> to vector<16xf32>
        %max3A_211 = arith.maximumf %scan3A_152, %get3A_210 : vector<16xf32>
        %mul3A_212 = arith.constant 128 : i32
        %mul3A_213 = arith.muli %add3A_157, %mul3A_212 : i32
        %add3A_214 = arith.constant 112 : i32
        %add3A_215 = arith.addi %mul3A_213, %add3A_214 : i32
        %get3A_216 = arith.index_cast %add3A_215 : i32 to index
        %get3A_217 = tpu.vector_load %arg5[%get3A_216] {strides = array<i32>} : memref<30720xf32, #tpu.memory_space<vmem>>, vector<16xf32>,
        %get3A_218 = vector.shape_cast %get3A_217 : vector<16xf32> to vector<16xf32>
        %max3A_219 = arith.maximumf %scan3A_153, %get3A_218 : vector<16xf32>
        %mul3A_220 = arith.constant 2 : i32
        %mul3A_221 = arith.muli %scan3A_145, %mul3A_220 : i32
        %add3A_222 = arith.constant 1 : i32
        %add3A_223 = arith.addi %mul3A_221, %add3A_222 : i32
        %mul3A_224 = arith.constant 128 : i32
        %mul3A_225 = arith.muli %add3A_223, %mul3A_224 : i32
        %add3A_226 = arith.constant 0 : i32
        %add3A_227 = arith.addi %mul3A_225, %add3A_226 : i32
        %get3A_228 = arith.index_cast %add3A_227 : i32 to index
        %get3A_229 = tpu.vector_load %arg5[%get3A_228] {strides = array<i32>} : memref<30720xf32, #tpu.memory_space<vmem>>, vector<16xf32>,
        %get3A_230 = vector.shape_cast %get3A_229 : vector<16xf32> to vector<16xf32>
        %max3A_231 = arith.maximumf %max3A, %get3A_230 : vector<16xf32>
        %mul3A_232 = arith.constant 128 : i32
        %mul3A_233 = arith.muli %add3A_223, %mul3A_232 : i32
        %add3A_234 = arith.constant 16 : i32
        %add3A_235 = arith.addi %mul3A_233, %add3A_234 : i32
        %get3A_236 = arith.index_cast %add3A_235 : i32 to index
        %get3A_237 = tpu.vector_load %arg5[%get3A_236] {strides = array<i32>} : memref<30720xf32, #tpu.memory_space<vmem>>, vector<16xf32>,
        %get3A_238 = vector.shape_cast %get3A_237 : vector<16xf32> to vector<16xf32>
        %max3A_239 = arith.maximumf %max3A_171, %get3A_238 : vector<16xf32>
        %mul3A_240 = arith.constant 128 : i32
        %mul3A_241 = arith.muli %add3A_223, %mul3A_240 : i32
        %add3A_242 = arith.constant 32 : i32
        %add3A_243 = arith.addi %mul3A_241, %add3A_242 : i32
        %get3A_244 = arith.index_cast %add3A_243 : i32 to index
        %get3A_245 = tpu.vector_load %arg5[%get3A_244] {strides = array<i32>} : memref<30720xf32, #tpu.memory_space<vmem>>, vector<16xf32>,
        %get3A_246 = vector.shape_cast %get3A_245 : vector<16xf32> to vector<16xf32>
        %max3A_247 = arith.maximumf %max3A_179, %get3A_246 : vector<16xf32>
        %mul3A_248 = arith.constant 128 : i32
        %mul3A_249 = arith.muli %add3A_223, %mul3A_248 : i32
        %add3A_250 = arith.constant 48 : i32
        %add3A_251 = arith.addi %mul3A_249, %add3A_250 : i32
        %get3A_252 = arith.index_cast %add3A_251 : i32 to index
        %get3A_253 = tpu.vector_load %arg5[%get3A_252] {strides = array<i32>} : memref<30720xf32, #tpu.memory_space<vmem>>, vector<16xf32>,
        %get3A_254 = vector.shape_cast %get3A_253 : vector<16xf32> to vector<16xf32>
        %max3A_255 = arith.maximumf %max3A_187, %get3A_254 : vector<16xf32>
        %mul3A_256 = arith.constant 128 : i32
        %mul3A_257 = arith.muli %add3A_223, %mul3A_256 : i32
        %add3A_258 = arith.constant 64 : i32
        %add3A_259 = arith.addi %mul3A_257, %add3A_258 : i32
        %get3A_260 = arith.index_cast %add3A_259 : i32 to index
        %get3A_261 = tpu.vector_load %arg5[%get3A_260] {strides = array<i32>} : memref<30720xf32, #tpu.memory_space<vmem>>, vector<16xf32>,
        %get3A_262 = vector.shape_cast %get3A_261 : vector<16xf32> to vector<16xf32>
        %max3A_263 = arith.maximumf %max3A_195, %get3A_262 : vector<16xf32>
        %mul3A_264 = arith.constant 128 : i32
        %mul3A_265 = arith.muli %add3A_223, %mul3A_264 : i32
        %add3A_266 = arith.constant 80 : i32
        %add3A_267 = arith.addi %mul3A_265, %add3A_266 : i32
        %get3A_268 = arith.index_cast %add3A_267 : i32 to index
        %get3A_269 = tpu.vector_load %arg5[%get3A_268] {strides = array<i32>} : memref<30720xf32, #tpu.memory_space<vmem>>, vector<16xf32>,
        %get3A_270 = vector.shape_cast %get3A_269 : vector<16xf32> to vector<16xf32>
        %max3A_271 = arith.maximumf %max3A_203, %get3A_270 : vector<16xf32>
        %mul3A_272 = arith.constant 128 : i32
        %mul3A_273 = arith.muli %add3A_223, %mul3A_272 : i32
        %add3A_274 = arith.constant 96 : i32
        %add3A_275 = arith.addi %mul3A_273, %add3A_274 : i32
        %get3A_276 = arith.index_cast %add3A_275 : i32 to index
        %get3A_277 = tpu.vector_load %arg5[%get3A_276] {strides = array<i32>} : memref<30720xf32, #tpu.memory_space<vmem>>, vector<16xf32>,
        %get3A_278 = vector.shape_cast %get3A_277 : vector<16xf32> to vector<16xf32>
        %max3A_279 = arith.maximumf %max3A_211, %get3A_278 : vector<16xf32>
        %mul3A_280 = arith.constant 128 : i32
        %mul3A_281 = arith.muli %add3A_223, %mul3A_280 : i32
        %add3A_282 = arith.constant 112 : i32
        %add3A_283 = arith.addi %mul3A_281, %add3A_282 : i32
        %get3A_284 = arith.index_cast %add3A_283 : i32 to index
        %get3A_285 = tpu.vector_load %arg5[%get3A_284] {strides = array<i32>} : memref<30720xf32, #tpu.memory_space<vmem>>, vector<16xf32>,
        %get3A_286 = vector.shape_cast %get3A_285 : vector<16xf32> to vector<16xf32>
        %max3A_287 = arith.maximumf %max3A_219, %get3A_286 : vector<16xf32>
        scf.yield %max3A_231, %max3A_239, %max3A_247, %max3A_255, %max3A_263, %max3A_271, %max3A_279, %max3A_287 : vector<16xf32>, vector<16xf32>, vector<16xf32>, vector<16xf32>, vector<16xf32>, vector<16xf32>, vector<16xf32>, vector<16xf32>
      }
      %scan3A_135 = arith.constant 120 : i32
      %mul3A_136 = arith.constant 2 : i32
      %mul3A_137 = arith.muli %mul3A_136, %scan3A_103 : i32
      %add3A_138 = arith.constant 3 : i32
      %add3A_139 = arith.addi %mul3A_137, %add3A_138 : i32
      %lt3A_140 = arith.constant 8 : i32
      %lt3A_141 = arith.cmpi slt, %add3A_139, %lt3A_140 : i32
      %convert_element_type3A_142 = arith.extui %lt3A_141 : i1 to i32
      %cond3A_143 = arith.constant 0 : i32
      %cond3A_144 = arith.cmpi ne, %convert_element_type3A_142, %cond3A_143 : i32
      scf.if %cond3A_144 {
        %mul3A_145 = arith.constant 2 : i32
        %mul3A_146 = arith.muli %mul3A_145, %scan3A_103 : i32
        %add3A_147 = arith.constant 3 : i32
        %add3A_148 = arith.addi %mul3A_146, %add3A_147 : i32
        %mul3A_149 = arith.constant 240 : i32
        %mul3A_150 = arith.muli %add3A_148, %mul3A_149 : i32
        %mul3A_151 = arith.constant 128 : i32
        %mul3A_152 = arith.muli %mul3A_150, %mul3A_151 : i32
        %add3A_153 = arith.addi %mul3A_39, %mul3A_152 : i32
        %dma_start3A_154 = tpu.memref_slice %arg2[%add3A_153] : memref<8388608xf32, #tpu.memory_space<hbm>> -> memref<30720xf32, #tpu.memory_space<hbm>>
        %dma_start3A_155 = tpu.memref_slice %arg2[%add3A_153] : memref<8388608xf32, #tpu.memory_space<hbm>> -> memref<30720xf32, #tpu.memory_space<hbm>>
        tpu.enqueue_dma source(%dma_start3A_155 : memref<30720xf32, #tpu.memory_space<hbm>>) target(%arg5 : memref<30720xf32, #tpu.memory_space<vmem>>) target_semaphore(%arg10 : memref<!tpu.dma_semaphore, #tpu.memory_space<semaphore_mem>>)
      } else {
      }
      scf.yield %scan3A_134#0, %scan3A_134#1, %scan3A_134#2, %scan3A_134#3, %scan3A_134#4, %scan3A_134#5, %scan3A_134#6, %scan3A_134#7 : vector<16xf32>, vector<16xf32>, vector<16xf32>, vector<16xf32>, vector<16xf32>, vector<16xf32>, vector<16xf32>, vector<16xf32>
    }
    %scan3A_66 = arith.constant 4 : i32
    %swap3A = arith.constant 0 : index
    %swap3A_67 = tpu.vector_load %arg6[%swap3A] {strides = array<i32>} : memref<128xf32, #tpu.memory_space<vmem>>, vector<16xf32>,
    %swap3A_68 = vector.shape_cast %swap3A_67 : vector<16xf32> to vector<16xf32>
    %swap3A_69 = vector.shape_cast %scan3A_65#0 : vector<16xf32> to vector<16xf32>
    tpu.vector_store %arg6[%swap3A], %swap3A_69 {strides = array<i32>} : memref<128xf32, #tpu.memory_space<vmem>>, vector<16xf32>,
    %swap3A_70 = arith.constant 16 : index
    %swap3A_71 = tpu.vector_load %arg6[%swap3A_70] {strides = array<i32>} : memref<128xf32, #tpu.memory_space<vmem>>, vector<16xf32>,
    %swap3A_72 = vector.shape_cast %swap3A_71 : vector<16xf32> to vector<16xf32>
    %swap3A_73 = vector.shape_cast %scan3A_65#1 : vector<16xf32> to vector<16xf32>
    tpu.vector_store %arg6[%swap3A_70], %swap3A_73 {strides = array<i32>} : memref<128xf32, #tpu.memory_space<vmem>>, vector<16xf32>,
    %swap3A_74 = arith.constant 32 : index
    %swap3A_75 = tpu.vector_load %arg6[%swap3A_74] {strides = array<i32>} : memref<128xf32, #tpu.memory_space<vmem>>, vector<16xf32>,
    %swap3A_76 = vector.shape_cast %swap3A_75 : vector<16xf32> to vector<16xf32>
    %swap3A_77 = vector.shape_cast %scan3A_65#2 : vector<16xf32> to vector<16xf32>
    tpu.vector_store %arg6[%swap3A_74], %swap3A_77 {strides = array<i32>} : memref<128xf32, #tpu.memory_space<vmem>>, vector<16xf32>,
    %swap3A_78 = arith.constant 48 : index
    %swap3A_79 = tpu.vector_load %arg6[%swap3A_78] {strides = array<i32>} : memref<128xf32, #tpu.memory_space<vmem>>, vector<16xf32>,
    %swap3A_80 = vector.shape_cast %swap3A_79 : vector<16xf32> to vector<16xf32>
    %swap3A_81 = vector.shape_cast %scan3A_65#3 : vector<16xf32> to vector<16xf32>
    tpu.vector_store %arg6[%swap3A_78], %swap3A_81 {strides = array<i32>} : memref<128xf32, #tpu.memory_space<vmem>>, vector<16xf32>,
    %swap3A_82 = arith.constant 64 : index
    %swap3A_83 = tpu.vector_load %arg6[%swap3A_82] {strides = array<i32>} : memref<128xf32, #tpu.memory_space<vmem>>, vector<16xf32>,
    %swap3A_84 = vector.shape_cast %swap3A_83 : vector<16xf32> to vector<16xf32>
    %swap3A_85 = vector.shape_cast %scan3A_65#4 : vector<16xf32> to vector<16xf32>
    tpu.vector_store %arg6[%swap3A_82], %swap3A_85 {strides = array<i32>} : memref<128xf32, #tpu.memory_space<vmem>>, vector<16xf32>,
    %swap3A_86 = arith.constant 80 : index
    %swap3A_87 = tpu.vector_load %arg6[%swap3A_86] {strides = array<i32>} : memref<128xf32, #tpu.memory_space<vmem>>, vector<16xf32>,
    %swap3A_88 = vector.shape_cast %swap3A_87 : vector<16xf32> to vector<16xf32>
    %swap3A_89 = vector.shape_cast %scan3A_65#5 : vector<16xf32> to vector<16xf32>
    tpu.vector_store %arg6[%swap3A_86], %swap3A_89 {strides = array<i32>} : memref<128xf32, #tpu.memory_space<vmem>>, vector<16xf32>,
    %swap3A_90 = arith.constant 96 : index
    %swap3A_91 = tpu.vector_load %arg6[%swap3A_90] {strides = array<i32>} : memref<128xf32, #tpu.memory_space<vmem>>, vector<16xf32>,
    %swap3A_92 = vector.shape_cast %swap3A_91 : vector<16xf32> to vector<16xf32>
    %swap3A_93 = vector.shape_cast %scan3A_65#6 : vector<16xf32> to vector<16xf32>
    tpu.vector_store %arg6[%swap3A_90], %swap3A_93 {strides = array<i32>} : memref<128xf32, #tpu.memory_space<vmem>>, vector<16xf32>,
    %swap3A_94 = arith.constant 112 : index
    %swap3A_95 = tpu.vector_load %arg6[%swap3A_94] {strides = array<i32>} : memref<128xf32, #tpu.memory_space<vmem>>, vector<16xf32>,
    %swap3A_96 = vector.shape_cast %swap3A_95 : vector<16xf32> to vector<16xf32>
    %swap3A_97 = vector.shape_cast %scan3A_65#7 : vector<16xf32> to vector<16xf32>
    tpu.vector_store %arg6[%swap3A_94], %swap3A_97 {strides = array<i32>} : memref<128xf32, #tpu.memory_space<vmem>>, vector<16xf32>,
    %mul3A_98 = arith.constant 128 : i32
    %mul3A_99 = arith.muli %arg1, %mul3A_98 : i32
    "tpu.region"() ({
      %run_scoped3A = tpu.sem_alloc : memref<!tpu.dma_semaphore, #tpu.memory_space<semaphore_mem>>
      %dma_start3A_103 = tpu.memref_slice %arg8[%mul3A_99] : memref<2048xf32, #tpu.memory_space<vmem_shared>> -> memref<128xf32, #tpu.memory_space<vmem_shared>>
      %dma_start3A_104 = tpu.memref_slice %arg8[%mul3A_99] : memref<2048xf32, #tpu.memory_space<vmem_shared>> -> memref<128xf32, #tpu.memory_space<vmem_shared>>
      tpu.enqueue_dma source(%arg6 : memref<128xf32, #tpu.memory_space<vmem>>) target(%dma_start3A_104 : memref<128xf32, #tpu.memory_space<vmem_shared>>) target_semaphore(%run_scoped3A : memref<!tpu.dma_semaphore, #tpu.memory_space<semaphore_mem>>)
      %dma_wait3A = tpu.memref_slice %arg8[%mul3A_99] : memref<2048xf32, #tpu.memory_space<vmem_shared>> -> memref<128xf32, #tpu.memory_space<vmem_shared>>
      %dma_wait3A_105 = tpu.memref_slice %arg8[%mul3A_99] : memref<2048xf32, #tpu.memory_space<vmem_shared>> -> memref<128xf32, #tpu.memory_space<vmem_shared>>
      tpu.wait_dma2 semaphore(%run_scoped3A : memref<!tpu.dma_semaphore, #tpu.memory_space<semaphore_mem>>) src(%arg6 : memref<128xf32, #tpu.memory_space<vmem>>) dst(%dma_wait3A_105 : memref<128xf32, #tpu.memory_space<vmem_shared>>)
      tpu.yield
    }) : () -> ()
    %barrier3A = arith.constant 0 : index
    tpu.barrier barrier_id(%barrier3A)
    %eq3A_100 = arith.constant 0 : i32
    %eq3A_101 = arith.cmpi eq, %select_n3A_30, %eq3A_100 : i32
    %convert_element_type3A = arith.extui %eq3A_101 : i1 to i32
    %cond3A = arith.constant 0 : i32
    %cond3A_102 = arith.cmpi ne, %convert_element_type3A, %cond3A : i32
    scf.if %cond3A_102 {
      %add3A_103 = arith.constant 1 : i32
      %add3A_104 = arith.addi %arg1, %add3A_103 : i32
      %mul3A_105 = arith.constant 128 : i32
      %mul3A_106 = arith.muli %add3A_104, %mul3A_105 : i32
      "tpu.region"() ({
        %run_scoped3A = tpu.sem_alloc : memref<!tpu.dma_semaphore, #tpu.memory_space<semaphore_mem>>
        %dma_start3A_195 = tpu.memref_slice %arg8[%mul3A_106] : memref<2048xf32, #tpu.memory_space<vmem_shared>> -> memref<128xf32, #tpu.memory_space<vmem_shared>>
        %dma_start3A_196 = tpu.memref_slice %arg8[%mul3A_106] : memref<2048xf32, #tpu.memory_space<vmem_shared>> -> memref<128xf32, #tpu.memory_space<vmem_shared>>
        tpu.enqueue_dma source(%dma_start3A_196 : memref<128xf32, #tpu.memory_space<vmem_shared>>) target(%arg7 : memref<128xf32, #tpu.memory_space<vmem>>) target_semaphore(%run_scoped3A : memref<!tpu.dma_semaphore, #tpu.memory_space<semaphore_mem>>)
        %dma_wait3A = tpu.memref_slice %arg8[%mul3A_106] : memref<2048xf32, #tpu.memory_space<vmem_shared>> -> memref<128xf32, #tpu.memory_space<vmem_shared>>
        %dma_wait3A_197 = tpu.memref_slice %arg8[%mul3A_106] : memref<2048xf32, #tpu.memory_space<vmem_shared>> -> memref<128xf32, #tpu.memory_space<vmem_shared>>
        tpu.wait_dma2 semaphore(%run_scoped3A : memref<!tpu.dma_semaphore, #tpu.memory_space<semaphore_mem>>) src(%dma_wait3A_197 : memref<128xf32, #tpu.memory_space<vmem_shared>>) dst(%arg7 : memref<128xf32, #tpu.memory_space<vmem>>)
        tpu.yield
      }) : () -> ()
      %get3A = arith.constant 0 : index
      %get3A_107 = tpu.vector_load %arg6[%get3A] {strides = array<i32>} : memref<128xf32, #tpu.memory_space<vmem>>, vector<16xf32>,
      %get3A_108 = vector.shape_cast %get3A_107 : vector<16xf32> to vector<16xf32>
      %get3A_109 = arith.constant 0 : index
      %get3A_110 = tpu.vector_load %arg7[%get3A_109] {strides = array<i32>} : memref<128xf32, #tpu.memory_space<vmem>>, vector<16xf32>,
      %get3A_111 = vector.shape_cast %get3A_110 : vector<16xf32> to vector<16xf32>
      %max3A = arith.maximumf %get3A_108, %get3A_111 : vector<16xf32>
      %swap3A_112 = arith.constant 0 : index
      %swap3A_113 = tpu.vector_load %arg6[%swap3A_112] {strides = array<i32>} : memref<128xf32, #tpu.memory_space<vmem>>, vector<16xf32>,
      %swap3A_114 = vector.shape_cast %swap3A_113 : vector<16xf32> to vector<16xf32>
      %swap3A_115 = vector.shape_cast %max3A : vector<16xf32> to vector<16xf32>
      tpu.vector_store %arg6[%swap3A_112], %swap3A_115 {strides = array<i32>} : memref<128xf32, #tpu.memory_space<vmem>>, vector<16xf32>,
      %get3A_116 = arith.constant 16 : index
      %get3A_117 = tpu.vector_load %arg6[%get3A_116] {strides = array<i32>} : memref<128xf32, #tpu.memory_space<vmem>>, vector<16xf32>,
      %get3A_118 = vector.shape_cast %get3A_117 : vector<16xf32> to vector<16xf32>
      %get3A_119 = arith.constant 16 : index
      %get3A_120 = tpu.vector_load %arg7[%get3A_119] {strides = array<i32>} : memref<128xf32, #tpu.memory_space<vmem>>, vector<16xf32>,
      %get3A_121 = vector.shape_cast %get3A_120 : vector<16xf32> to vector<16xf32>
      %max3A_122 = arith.maximumf %get3A_118, %get3A_121 : vector<16xf32>
      %swap3A_123 = arith.constant 16 : index
      %swap3A_124 = tpu.vector_load %arg6[%swap3A_123] {strides = array<i32>} : memref<128xf32, #tpu.memory_space<vmem>>, vector<16xf32>,
      %swap3A_125 = vector.shape_cast %swap3A_124 : vector<16xf32> to vector<16xf32>
      %swap3A_126 = vector.shape_cast %max3A_122 : vector<16xf32> to vector<16xf32>
      tpu.vector_store %arg6[%swap3A_123], %swap3A_126 {strides = array<i32>} : memref<128xf32, #tpu.memory_space<vmem>>, vector<16xf32>,
      %get3A_127 = arith.constant 32 : index
      %get3A_128 = tpu.vector_load %arg6[%get3A_127] {strides = array<i32>} : memref<128xf32, #tpu.memory_space<vmem>>, vector<16xf32>,
      %get3A_129 = vector.shape_cast %get3A_128 : vector<16xf32> to vector<16xf32>
      %get3A_130 = arith.constant 32 : index
      %get3A_131 = tpu.vector_load %arg7[%get3A_130] {strides = array<i32>} : memref<128xf32, #tpu.memory_space<vmem>>, vector<16xf32>,
      %get3A_132 = vector.shape_cast %get3A_131 : vector<16xf32> to vector<16xf32>
      %max3A_133 = arith.maximumf %get3A_129, %get3A_132 : vector<16xf32>
      %swap3A_134 = arith.constant 32 : index
      %swap3A_135 = tpu.vector_load %arg6[%swap3A_134] {strides = array<i32>} : memref<128xf32, #tpu.memory_space<vmem>>, vector<16xf32>,
      %swap3A_136 = vector.shape_cast %swap3A_135 : vector<16xf32> to vector<16xf32>
      %swap3A_137 = vector.shape_cast %max3A_133 : vector<16xf32> to vector<16xf32>
      tpu.vector_store %arg6[%swap3A_134], %swap3A_137 {strides = array<i32>} : memref<128xf32, #tpu.memory_space<vmem>>, vector<16xf32>,
      %get3A_138 = arith.constant 48 : index
      %get3A_139 = tpu.vector_load %arg6[%get3A_138] {strides = array<i32>} : memref<128xf32, #tpu.memory_space<vmem>>, vector<16xf32>,
      %get3A_140 = vector.shape_cast %get3A_139 : vector<16xf32> to vector<16xf32>
      %get3A_141 = arith.constant 48 : index
      %get3A_142 = tpu.vector_load %arg7[%get3A_141] {strides = array<i32>} : memref<128xf32, #tpu.memory_space<vmem>>, vector<16xf32>,
      %get3A_143 = vector.shape_cast %get3A_142 : vector<16xf32> to vector<16xf32>
      %max3A_144 = arith.maximumf %get3A_140, %get3A_143 : vector<16xf32>
      %swap3A_145 = arith.constant 48 : index
      %swap3A_146 = tpu.vector_load %arg6[%swap3A_145] {strides = array<i32>} : memref<128xf32, #tpu.memory_space<vmem>>, vector<16xf32>,
      %swap3A_147 = vector.shape_cast %swap3A_146 : vector<16xf32> to vector<16xf32>
      %swap3A_148 = vector.shape_cast %max3A_144 : vector<16xf32> to vector<16xf32>
      tpu.vector_store %arg6[%swap3A_145], %swap3A_148 {strides = array<i32>} : memref<128xf32, #tpu.memory_space<vmem>>, vector<16xf32>,
      %get3A_149 = arith.constant 64 : index
      %get3A_150 = tpu.vector_load %arg6[%get3A_149] {strides = array<i32>} : memref<128xf32, #tpu.memory_space<vmem>>, vector<16xf32>,
      %get3A_151 = vector.shape_cast %get3A_150 : vector<16xf32> to vector<16xf32>
      %get3A_152 = arith.constant 64 : index
      %get3A_153 = tpu.vector_load %arg7[%get3A_152] {strides = array<i32>} : memref<128xf32, #tpu.memory_space<vmem>>, vector<16xf32>,
      %get3A_154 = vector.shape_cast %get3A_153 : vector<16xf32> to vector<16xf32>
      %max3A_155 = arith.maximumf %get3A_151, %get3A_154 : vector<16xf32>
      %swap3A_156 = arith.constant 64 : index
      %swap3A_157 = tpu.vector_load %arg6[%swap3A_156] {strides = array<i32>} : memref<128xf32, #tpu.memory_space<vmem>>, vector<16xf32>,
      %swap3A_158 = vector.shape_cast %swap3A_157 : vector<16xf32> to vector<16xf32>
      %swap3A_159 = vector.shape_cast %max3A_155 : vector<16xf32> to vector<16xf32>
      tpu.vector_store %arg6[%swap3A_156], %swap3A_159 {strides = array<i32>} : memref<128xf32, #tpu.memory_space<vmem>>, vector<16xf32>,
      %get3A_160 = arith.constant 80 : index
      %get3A_161 = tpu.vector_load %arg6[%get3A_160] {strides = array<i32>} : memref<128xf32, #tpu.memory_space<vmem>>, vector<16xf32>,
      %get3A_162 = vector.shape_cast %get3A_161 : vector<16xf32> to vector<16xf32>
      %get3A_163 = arith.constant 80 : index
      %get3A_164 = tpu.vector_load %arg7[%get3A_163] {strides = array<i32>} : memref<128xf32, #tpu.memory_space<vmem>>, vector<16xf32>,
      %get3A_165 = vector.shape_cast %get3A_164 : vector<16xf32> to vector<16xf32>
      %max3A_166 = arith.maximumf %get3A_162, %get3A_165 : vector<16xf32>
      %swap3A_167 = arith.constant 80 : index
      %swap3A_168 = tpu.vector_load %arg6[%swap3A_167] {strides = array<i32>} : memref<128xf32, #tpu.memory_space<vmem>>, vector<16xf32>,
      %swap3A_169 = vector.shape_cast %swap3A_168 : vector<16xf32> to vector<16xf32>
      %swap3A_170 = vector.shape_cast %max3A_166 : vector<16xf32> to vector<16xf32>
      tpu.vector_store %arg6[%swap3A_167], %swap3A_170 {strides = array<i32>} : memref<128xf32, #tpu.memory_space<vmem>>, vector<16xf32>,
      %get3A_171 = arith.constant 96 : index
      %get3A_172 = tpu.vector_load %arg6[%get3A_171] {strides = array<i32>} : memref<128xf32, #tpu.memory_space<vmem>>, vector<16xf32>,
      %get3A_173 = vector.shape_cast %get3A_172 : vector<16xf32> to vector<16xf32>
      %get3A_174 = arith.constant 96 : index
      %get3A_175 = tpu.vector_load %arg7[%get3A_174] {strides = array<i32>} : memref<128xf32, #tpu.memory_space<vmem>>, vector<16xf32>,
      %get3A_176 = vector.shape_cast %get3A_175 : vector<16xf32> to vector<16xf32>
      %max3A_177 = arith.maximumf %get3A_173, %get3A_176 : vector<16xf32>
      %swap3A_178 = arith.constant 96 : index
      %swap3A_179 = tpu.vector_load %arg6[%swap3A_178] {strides = array<i32>} : memref<128xf32, #tpu.memory_space<vmem>>, vector<16xf32>,
      %swap3A_180 = vector.shape_cast %swap3A_179 : vector<16xf32> to vector<16xf32>
      %swap3A_181 = vector.shape_cast %max3A_177 : vector<16xf32> to vector<16xf32>
      tpu.vector_store %arg6[%swap3A_178], %swap3A_181 {strides = array<i32>} : memref<128xf32, #tpu.memory_space<vmem>>, vector<16xf32>,
      %get3A_182 = arith.constant 112 : index
      %get3A_183 = tpu.vector_load %arg6[%get3A_182] {strides = array<i32>} : memref<128xf32, #tpu.memory_space<vmem>>, vector<16xf32>,
      %get3A_184 = vector.shape_cast %get3A_183 : vector<16xf32> to vector<16xf32>
      %get3A_185 = arith.constant 112 : index
      %get3A_186 = tpu.vector_load %arg7[%get3A_185] {strides = array<i32>} : memref<128xf32, #tpu.memory_space<vmem>>, vector<16xf32>,
      %get3A_187 = vector.shape_cast %get3A_186 : vector<16xf32> to vector<16xf32>
      %max3A_188 = arith.maximumf %get3A_184, %get3A_187 : vector<16xf32>
      %swap3A_189 = arith.constant 112 : index
      %swap3A_190 = tpu.vector_load %arg6[%swap3A_189] {strides = array<i32>} : memref<128xf32, #tpu.memory_space<vmem>>, vector<16xf32>,
      %swap3A_191 = vector.shape_cast %swap3A_190 : vector<16xf32> to vector<16xf32>
      %swap3A_192 = vector.shape_cast %max3A_188 : vector<16xf32> to vector<16xf32>
      tpu.vector_store %arg6[%swap3A_189], %swap3A_192 {strides = array<i32>} : memref<128xf32, #tpu.memory_space<vmem>>, vector<16xf32>,
      %mul3A_193 = arith.constant 128 : i32
      %mul3A_194 = arith.muli %add3A, %mul3A_193 : i32
      "tpu.region"() ({
        %run_scoped3A = tpu.sem_alloc : memref<!tpu.dma_semaphore, #tpu.memory_space<semaphore_mem>>
        %dma_start3A_195 = tpu.memref_slice %arg3[%mul3A_194] : memref<2048xf32, #tpu.memory_space<hbm>> -> memref<128xf32, #tpu.memory_space<hbm>>
        %dma_start3A_196 = tpu.memref_slice %arg3[%mul3A_194] : memref<2048xf32, #tpu.memory_space<hbm>> -> memref<128xf32, #tpu.memory_space<hbm>>
        tpu.enqueue_dma source(%arg6 : memref<128xf32, #tpu.memory_space<vmem>>) target(%dma_start3A_196 : memref<128xf32, #tpu.memory_space<hbm>>) target_semaphore(%run_scoped3A : memref<!tpu.dma_semaphore, #tpu.memory_space<semaphore_mem>>)
        %dma_wait3A = tpu.memref_slice %arg3[%mul3A_194] : memref<2048xf32, #tpu.memory_space<hbm>> -> memref<128xf32, #tpu.memory_space<hbm>>
        %dma_wait3A_197 = tpu.memref_slice %arg3[%mul3A_194] : memref<2048xf32, #tpu.memory_space<hbm>> -> memref<128xf32, #tpu.memory_space<hbm>>
        tpu.wait_dma2 semaphore(%run_scoped3A : memref<!tpu.dma_semaphore, #tpu.memory_space<semaphore_mem>>) src(%arg6 : memref<128xf32, #tpu.memory_space<vmem>>) dst(%dma_wait3A_197 : memref<128xf32, #tpu.memory_space<hbm>>)
        tpu.yield
      }) : () -> ()
    } else {
    }
    return
  }
}

module attributes {stable_mosaic.version = 14 : i64} {
  func.func @_copy_and_head_max(%arg0: i32, %arg1: memref<1x4096x128xf32, #tpu.memory_space<vmem>>, %arg2: memref<1x256x128xf32, #tpu.memory_space<vmem>>, %arg3: memref<1x4096x128xf32, #tpu.memory_space<vmem>>, %arg4: memref<1x1x128xf32, #tpu.memory_space<vmem>>) attributes {dimension_semantics = [#tpu.dimension_semantics<arbitrary>], iteration_bounds = array<i64: 16>, scalar_prefetch = 0 : i64, scratch_operands = 0 : i64, tpu.core_type = #tpu.core_type<tc>, window_params = [{transform_indices = @transform_0, window_bounds = array<i64: 1, 4096, 128>}, {transform_indices = @transform_1, window_bounds = array<i64: 1, 256, 128>}, {transform_indices = @transform_2, window_bounds = array<i64: 1, 4096, 128>}, {transform_indices = @transform_3, window_bounds = array<i64: 1, 1, 128>}]} {
    %get3A = arith.constant 0 : index
    %get3A_0 = arith.constant 0 : index
    %get3A_1 = arith.constant 0 : index
    %get3A_2 = vector.load %arg1[%get3A, %get3A_0, %get3A_1] : memref<1x4096x128xf32, #tpu.memory_space<vmem>>, vector<1x4096x128xf32>
    %swap3A = arith.constant 0 : index
    %swap3A_3 = arith.constant 0 : index
    %swap3A_4 = arith.constant 0 : index
    %swap3A_5 = vector.load %arg3[%swap3A, %swap3A_3, %swap3A_4] : memref<1x4096x128xf32, #tpu.memory_space<vmem>>, vector<1x4096x128xf32>
    tpu.vector_store %arg3[%swap3A, %swap3A_3, %swap3A_4], %get3A_2 {strides = array<i32>} : memref<1x4096x128xf32, #tpu.memory_space<vmem>>, vector<1x4096x128xf32>,
    %get3A_6 = arith.constant 0 : index
    %get3A_7 = arith.constant 0 : index
    %get3A_8 = arith.constant 0 : index
    %get3A_9 = vector.load %arg2[%get3A_6, %get3A_7, %get3A_8] : memref<1x256x128xf32, #tpu.memory_space<vmem>>, vector<1x256x128xf32>
    %get3A_10 = vector.shape_cast %get3A_9 : vector<1x256x128xf32> to vector<256x128xf32>
    %reduce_max3A = arith.constant dense<0xFF800000> : vector<128xf32>
    %reduce_max3A_11 = vector.multi_reduction <maximumf>, %get3A_10, %reduce_max3A [0] : vector<256x128xf32> to vector<128xf32>
    %swap3A_12 = arith.constant 0 : index
    %swap3A_13 = arith.constant 0 : index
    %swap3A_14 = arith.constant 0 : index
    %swap3A_15 = vector.load %arg4[%swap3A_12, %swap3A_13, %swap3A_14] : memref<1x1x128xf32, #tpu.memory_space<vmem>>, vector<1x1x128xf32>
    %swap3A_16 = vector.shape_cast %swap3A_15 : vector<1x1x128xf32> to vector<128xf32>
    %swap3A_17 = vector.shape_cast %reduce_max3A_11 : vector<128xf32> to vector<1x1x128xf32>
    tpu.vector_store %arg4[%swap3A_12, %swap3A_13, %swap3A_14], %swap3A_17 {strides = array<i32>} : memref<1x1x128xf32, #tpu.memory_space<vmem>>, vector<1x1x128xf32>,
    return
  }
  func.func @transform_0(%arg0: i32) -> (i32, i32, i32) {
    %c0_i32 = arith.constant 0 : i32
    %c0_i32_0 = arith.constant 0 : i32
    %c0_i32_1 = arith.constant 0 : i32
    return %arg0, %c0_i32, %c0_i32_0 : i32, i32, i32
  }
  func.func @transform_1(%arg0: i32) -> (i32, i32, i32) {
    %c0_i32 = arith.constant 0 : i32
    %c0_i32_0 = arith.constant 0 : i32
    %c0_i32_1 = arith.constant 0 : i32
    return %arg0, %c0_i32, %c0_i32_0 : i32, i32, i32
  }
  func.func @transform_2(%arg0: i32) -> (i32, i32, i32) {
    %c0_i32 = arith.constant 0 : i32
    %c0_i32_0 = arith.constant 0 : i32
    %c0_i32_1 = arith.constant 0 : i32
    return %arg0, %c0_i32, %c0_i32_0 : i32, i32, i32
  }
  func.func @transform_3(%arg0: i32) -> (i32, i32, i32) {
    %c0_i32 = arith.constant 0 : i32
    %c0_i32_0 = arith.constant 0 : i32
    %c0_i32_1 = arith.constant 0 : i32
    return %arg0, %c0_i32, %c0_i32_0 : i32, i32, i32
  }
}

</mosaic_0001>

<sc_bundles>
// kernel: kernel.4.cloned.1.call-start
scs
__scs_entry_jumppad:
0x0: {  	(pc) =	sbr.rel $0x88, $3  }
0x1: {  	(tag) =	ssettag $0x0;
	lr =	simm.s32 $0x1  }
0x2: {  	[smem:$0x3F9F] =	sst lr;
	_ =	strace $0xD0000000  }
0x3: {  	_ = 	snop  }
0x4: {  	_ = 	snop  }
0x5: {  	_ = 	snop  }
0x6: {  	_ = 	snop  }
0x7: {  	_ = 	snop  }
__scs_overlays_trampoline_lowered:
0x8: {  	[smem:$0x3FAE] =	sst s0  }
0x9: {  	[smem:$0x3FAF] =	sst s1  }
0xa: {  	[smem:$0x3FB0] =	sst s2  }
0xb: {  	[smem:$0x3FB1] =	sst s3  }
0xc: {  	[smem:$0x3FB2] =	sst s4  }
0xd: {  	[smem:$0x3FB3] =	sst s5  }
0xe: {  	[smem:$0x3FB4] =	sst s6  }
0xf: {  	[smem:$0x3FB5] =	sst s7  }
0x10: {  	[smem:$0x3FB6] =	sst s8  }
0x11: {  	[smem:$0x3FB7] =	sst s9;
	s0 =	simm.s32 @!p0 $0x0  }
0x12: {  	s1 =	sld [smem:$0x3F9D];
	s0 =	simm.s32 @p0 $0x1  }
0x13: {  	[smem:$0x3FB8] =	sst s0;
	s0 =	simm.s32 @!p1 $0x0  }
0x14: {  	s2 =	sld [smem:$0x3F9C];
	s0 =	simm.s32 @p1 $0x1  }
0x15: {  	[smem:$0x3FB9] =	sst s0;
	s0 =	simm.s32 @!p2 $0x0  }
0x16: {  	s3 =	sld [smem:$0x3FDB];
	s0 =	simm.s32 @p2 $0x1  }
0x17: {  	s4 =	simm.s32 $0x1BF5;
	[smem:$0x3FBB] =	sst s0  }
0x18: {  	s0 =	sld [smem:$0x3F9E];
	_ =	swait.ge [sflag:s4], $0x0  }
0x19: {  	s7 =	sld [smem:$0x3F9F]  }
0x1a: {  	s8 =	sadd.s32 $0xFFFFE003, lr  }
0x1b: {  	s9 =	sadd.s32 $0xFFFFFEF7, lr;
	s5 =	simm.s32 $0xFFFFFFFF;
	p2 =	slt.u32 s8, $0xFFFFF086  }
0x1c: {  	p1 =	slt.u32 s9, $0xF7A;
	s5 =	simm.s32 @!p2 $0x0  }
0x1d: {  	s5 =	simm.s32 @p1 $0x1;
	p0 =	seq.s32 s7, s2  }
0x1e: {  	s7 =	smul.u32 @!p0 $0xF7A, s2;
	p2 =	seq.s32 @!p0 s5, $0x0  }
0x1f: {  	s9 =	smul.u32 $0xF7A, s1;
	s8 =	simm.s32 @!p0 $0x1BF5;
	p2 =	por !p2, p0  }
0x20: {  	[sflag:s8] =	ssyncset.s32 @!p0 $0xFFFFF086;
	s6 =	sadd.s32 @!p0 s3, s7;
	s7 =	simm.s32 @!p0 $0x108  }
0x21: {  	s3 =	sadd.s32 s3, s9;
	s6 =	sadd.s32 @!p0 $0x88, s6;
	s7 =	simm.s32 @p2 $0x1082  }
0x22: {  	[simem:s7], [sflag:s8] =	dma.local @!p0 [hbm:s6], $0xF7A  }
0x23: {  	s9 =	sor.u32 $0xD0000000, s2;
	s6 =	simm.s32 $0x108;
	_ =	swait.ge @!p0 [sflag:s8], $0x0  }
0x24: {  	s3 =	sadd.s32 $0x88, s3;
	s6 =	simm.s32 @!p1 $0x1082;
	[sflag:s4] =	ssyncset.s32 $0xFFFFF086  }
0x25: {  	[simem:s6], [sflag:s4] =	dma.local [hbm:s3], $0xF7A  }
0x26: {  	[smem:$0x3F9F] =	sst s1;
	(tag) =	ssettag s2;
	_ =	strace s9  }
0x27: {  	s1 =	sld [smem:$0x3FAF]  }
0x28: {  	s2 =	sld [smem:$0x3FB0]  }
0x29: {  	s4 =	sld [smem:$0x3FB2]  }
0x2a: {  	p0 =	seq.s32 s5, $0x0;
	s5 =	sld [smem:$0x3FB3]  }
0x2b: {  	s6 =	sld [smem:$0x3FB4]  }
0x2c: {  	s7 =	sld [smem:$0x3FB5]  }
0x2d: {  	s3 =	simm.s32 $0x108;
	s8 =	sld [smem:$0x3FB6]  }
0x2e: {  	s3 =	simm.s32 @!p0 $0x1082;
	s9 =	sld [smem:$0x3FB7]  }
0x2f: {  	lr =	sadd.s32 s0, s3;
	s0 =	sld [smem:$0x3FAE]  }
0x30: {  	s3 =	sld [smem:$0x3FB1]  }
0x31: {  	[smem:$0x3FBA] =	sst s10  }
0x32: {  	s10 =	sld [smem:$0x3FB8];
	_ =	sdelay $0x3  }
0x33: {  	p0 =	seq.s32 s10, $0x1;
	s10 =	sld [smem:$0x3FBA];
	_ =	sdelay $0x3  }
0x34: {  	[smem:$0x3FBA] =	sst s10  }
0x35: {  	s10 =	sld [smem:$0x3FB9];
	_ =	sdelay $0x3  }
0x36: {  	p1 =	seq.s32 s10, $0x1;
	s10 =	sld [smem:$0x3FBA];
	_ =	sdelay $0x3  }
0x37: {  	[smem:$0x3FBA] =	sst s10  }
0x38: {  	s10 =	sld [smem:$0x3FBB]  }
0x39: {  	_ = 	snop;
	(pc) =	sbr.ind lr, $3  }
0x3a: {  	_ = 	snop  }
0x3b: {  	_ = 	snop  }
0x3c: {  	p2 =	seq.s32 s10, $0x1;
	s10 =	sld [smem:$0x3FBA]  }
0x3d: {  	_ =	shalt  }
0x3e: {  	_ =	shalt  }
0x3f: {  	_ =	shalt  }
0x40: {  	_ =	shalt  }
0x41: {  	_ =	shalt  }
0x42: {  	_ =	shalt  }
0x43: {  	_ =	shalt  }
0x44: {  	_ =	shalt  }
0x45: {  	_ =	shalt  }
0x46: {  	_ =	shalt  }
0x47: {  	_ =	shalt  }
0x48: {  	_ =	shalt  }
0x49: {  	_ =	shalt  }
0x4a: {  	_ =	shalt  }
0x4b: {  	_ =	shalt  }
0x4c: {  	_ =	shalt  }
0x4d: {  	_ =	shalt  }
0x4e: {  	_ =	shalt  }
0x4f: {  	_ =	shalt  }
0x50: {  	_ =	shalt  }
0x51: {  	_ =	shalt  }
0x52: {  	_ =	shalt  }
0x53: {  	_ =	shalt  }
0x54: {  	_ =	shalt  }
0x55: {  	_ =	shalt  }
0x56: {  	_ =	shalt  }
0x57: {  	_ =	shalt  }
0x58: {  	_ =	shalt  }
0x59: {  	_ =	shalt  }
0x5a: {  	_ =	shalt  }
0x5b: {  	_ =	shalt  }
0x5c: {  	_ =	shalt  }
0x5d: {  	_ =	shalt  }
0x5e: {  	_ =	shalt  }
0x5f: {  	_ =	shalt  }
0x60: {  	_ =	shalt  }
0x61: {  	_ =	shalt  }
0x62: {  	_ =	shalt  }
0x63: {  	_ =	shalt  }
0x64: {  	_ =	shalt  }
0x65: {  	_ =	shalt  }
0x66: {  	_ =	shalt  }
0x67: {  	_ =	shalt  }
0x68: {  	_ =	shalt  }
0x69: {  	_ =	shalt  }
0x6a: {  	_ =	shalt  }
0x6b: {  	_ =	shalt  }
0x6c: {  	_ =	shalt  }
0x6d: {  	_ =	shalt  }
0x6e: {  	_ =	shalt  }
0x6f: {  	_ =	shalt  }
0x70: {  	_ =	shalt  }
0x71: {  	_ =	shalt  }
0x72: {  	_ =	shalt  }
0x73: {  	_ =	shalt  }
0x74: {  	_ =	shalt  }
0x75: {  	_ =	shalt  }
0x76: {  	_ =	shalt  }
0x77: {  	_ =	shalt  }
0x78: {  	_ =	shalt  }
0x79: {  	_ =	shalt  }
0x7a: {  	_ =	shalt  }
0x7b: {  	_ =	shalt  }
0x7c: {  	_ =	shalt  }
0x7d: {  	_ =	shalt  }
0x7e: {  	_ =	shalt  }
0x7f: {  	_ =	shalt  }
0x80: {  	_ =	shalt  }
0x81: {  	_ =	shalt  }
0x82: {  	_ =	shalt  }
0x83: {  	_ =	shalt  }
0x84: {  	_ =	shalt  }
0x85: {  	_ =	shalt  }
0x86: {  	_ =	shalt  }
0x87: {  	_ =	shalt  }
.Lfunc_end0:
.L_simem_size_0:
called_computation_lowered:
.L_overlay_start_0:
0x88: {  	s2 =	sld [smem:$0x3FD9]  }
0x89: {  	s3 =	sld [smem:$0x3FFE];
	_ =	sdelay $0x1  }
0x8a: {  	s1 =	srdreg.scid  }
0x8b: {  	s0 =	sand.u32 $0x1, s1  }
0x8c: {  	s17 =	sshll.u32 s0, $0xA;
	s2 =	sadd.s32 s3, s2  }
0x8d: {  	s2 =	sadd.s32 s2, s17  }
0x8e: {  	[smem:$0x3FC6] =	sst s2  }
0x8f: {  	_ = 	snop  }
0x90: {  	s2 =	sld [smem:$0x3FC8];
	(tm) =	ssettm $0x1  }
0x91: {  	s18 =	sld [smem:$0x3FFB];
	_ =	sdelay $0x3  }
0x92: {  	_ =	strace s18  }
0x93: {  	s3 =	sld [smem:$0x3FFC];
	_ =	sdelay $0x3  }
0x94: {  	_ =	strace s3  }
0x95: {  	s3 =	sld [smem:$0x3FFD];
	_ =	sdelay $0x3  }
0x96: {  	_ =	strace s3  }
0x97: {  	_ =	strace $0x8FFFFFFF  }
0x98: {  	s19 =	sld [smem:$0x3FDB];
	_ =	sdelay $0x1  }
0x99: {  	s4 =	simm.s32 $_scs_section_size  }
0x9a: {  	s5 =	simm.s32 $_size__tile_overlayer_lowered;
	s6 =	simm.s32 $_tile_overlayer_lowered  }
0x9b: {  	s22 =	simm.s32 $0x1BFF;
	s21 =	sshll.u32 s6, $0x1;
	s3 =	sadd.s32 s4, s19  }
0x9c: {  	s7 =	simm.s32 $0x0;
	s20 =	sshll.u32 s5, $0x1;
	s5 =	sadd.s32 s21, s3  }
0x9d: {  	[timem:s7], [sflag:s22] =	dma.local [hbm:s5], s20  }
0x9e: {  	_ =	swait.ge [sflag:s22], s20  }
0x9f: {  	s4 =	ssub.s32 $0x0, s20;
	[sflag:s22] =	ssyncset.done $0x0  }
0xa0: {  	[sflag:s22] =	ssyncadd.s32 s4;
	_ =	sdelay $0x1  }
0xa1: {  	s23 =	simm.s32 $0x1B8B  }
0xa2: {  	_ =	swait.ge [sflag:s23], $0x1  }
0xa3: {  	[sflag:s23] =	ssyncset.done $0x0  }
0xa4: {  	s25 =	simm.s32 $0x1B8E;
	s24 =	sld [smem:$0x3FFE];
	[sflag:s23] =	ssyncadd.s32 $0xFFFFFFFF  }
0xa5: {  	s26 =	simm.s32 $execute0_lowered;
	[smem:$0x3FD2] =	sst s25  }
0xa6: {  	s5 =	sshll.u32 s26, $0x1;
	_ =	strace $0x80000046;
	[dreg:$0x1] =	wrdreg $0xFFFFFFFF  }
0xa7: {  	s28 =	simm.s32 $_size_execute0_lowered;
	s3 =	sadd.s32 s3, s5;
	[dreg:$0x0] =	wrdreg $0x0  }
0xa8: {  	s5 =	sshll.u32 s28, $0x1;
	[dreg:$0x2] =	wrdreg s3  }
0xa9: {  	[dreg:$0x3] =	wrdreg s5  }
0xaa: {  	[dreg:$0x4] =	wrdreg $0xC0  }
0xab: {  	_ =	task [dreg:s7], $0x5FFFF  }
0xac: {  	[dreg:$0x1] =	wrdreg $0xFFFFFFFF  }
0xad: {  	[dreg:$0x0] =	wrdreg $0x60  }
0xae: {  	[dreg:$0x2] =	wrdreg s2  }
0xaf: {  	[dreg:$0x3] =	wrdreg s24  }
0xb0: {  	[dreg:$0x4] =	wrdreg $0xF1000  }
0xb1: {  	[dreg:$0x5] =	wrdreg $0x9  }
0xb2: {  	_ =	task.clear_ibuf [dreg:s7], $0x6FFFF;
	_ =	strace $0x90000046  }
0xb3: {  	s29 =	simm.s32 $0x9;
	_ =	strace $0x80000048  }
0xb4: {  	_ =	swait.ge [sflag:s29], $0x1  }
0xb5: {  	[sflag:s29] =	ssyncadd.s32 $0xFFFFFFFF  }
0xb6: {  	_ =	strace $0x90000048  }
0xb7: {  	_ =	sfence  }
0xb8: {  	s30 =	sld [smem:$0x0];
	_ =	sdelay $0x2  }
0xb9: {  	s31 =	sshll.u32 s1, $0xD;
	s1 =	sshrl.u32 s1, $0x2  }
0xba: {  	s3 =	sand.u32 $0x4000, s31;
	s1 =	sadd.s32 s1, s30  }
0xbb: {  	s0 =	sor.u32 s3, s0;
	s1 =	sshll.u32 s1, $0x11  }
0xbc: {  	s0 =	sor.u32 s1, s0  }
0xbd: {  	s0 =	sadd.s32 $0x8F2B, s0  }
0xbe: {  	[sflag:s0] =	ssyncadd.remote.s32 $0x1  }
0xbf: {  	_ =	sfence.sel $0xFFFF  }
0xc0: {  	[dreg:$0x0] =	wrdreg $0xFFFFFFFF;
	(pc) =	sbr.abs _section_cstart, $3  }
0xc1: {  	[dreg:$0x1] =	wrdreg $0xFFFFFFFF  }
0xc2: {  	_ =	task.clear_ibuf [dreg:s7], $0x2FFFF;
	_ =	strace $0x9FFFFFFF  }
0xc3: {  	(tm) =	ssettm $0x7FFFFFFF  }
tec
execute0_lowered:
.L_overlay_start_1:
0x0: {  	(tag) =	ssettag $0x1  }
0x1: {  	s1 =	rddreg [dreg:$0x0]  }
0x2: {  	s2 =	srdreg.scid;
	s4 =	rddreg [dreg:$0x1]  }
0x3: {  	s0 =	stileid.u32;
	s6 =	rddreg [dreg:$0x2]  }
0x4: {  	s13 =	simm.s32 $0x1;
	s14 =	simm.s32 $0x2;
	s16 =	simm.s32 $0x3  }
0x5: {  	s17 =	simm.s32 $0x0;
	s5 =	sand.u32 $0x1, s2;
	s3 =	sshrl.u32 s0, $0x1  }
0x6: {  	s15 =	sand.u32 $0x1, s0;
	s31 =	sshll.u32 s0, $0x7;
	s2 =	sshll.u32 s5, $0x3  }
0x7: {  	s8 =	smul.u32 $0x780, s15;
	s5 =	ssub.s32 $0x2, s5;
	s6 =	sadd.s32 s31, s6  }
0x8: {  	p0 =	sne.s32 s15, $0x0;
	s15 =	simm.s32 $0xF000;
	s7 =	sor.u32 s3, s2  }
0x9: {  	s2 =	rddreg [dreg:$0x3];
	s3 =	simm.s32 $0x0;
	s26 =	sshrl.u32 s5, $0x1  }
0xa: {  	s9 =	sshll.u32 s7, $0xC;
	[smem:$0x7FF] =	sst s3;
	s7 =	sshll.u32 s7, $0x4  }
0xb: {  	s12 =	ssub.s32 s5, s26;
	s8 =	sor.u32 s9, s8;
	_ =	strace $0x80000047  }
.Ltmp0:
0xc: {  	s11 =	sadd.s32 s7, s4;
	s8 =	sadd.s32 $0x100, s8;
	(pc) =	sbr.rel .LBB2_1-.Ltmp0, $4  }
0xd: {  	s9 =	sadd.s32 $0x80, s6;
	s10 =	sshll.u32 s8, $0x7;
	s29 =	sshll.u32 s8, $0x4  }
0xe: {  	s28 =	sshrl.u32 s10, $0x3;
	s4 =	sadd.s32 s1, s29;
	s7 =	sadd.s32 $0xF000, s10  }
0xf: {  	s8 =	sadd.s32 $0x16800, s10;
	s10 =	sadd.s32 $0x600, s11;
	s30 =	sadd.s32 s1, s28  }
0x10: {  	s11 =	smax.u32 s12, $0x1;
	s12 =	simm.s32 $0x7800;
	s5 =	sadd.s32 $0xF00, s30  }
.LBB2_8:
0x11: {  	[tilespmem:$0xF000] =	vst v7  }
0x12: {  	[tilespmem:$0xF010] =	vst v6  }
0x13: {  	[tilespmem:$0xF020] =	vst v5  }
0x14: {  	[tilespmem:$0xF030] =	vst v4  }
0x15: {  	[tilespmem:$0xF040] =	vst v3  }
0x16: {  	[tilespmem:$0xF050] =	vst v2  }
0x17: {  	[tilespmem:$0xF060] =	vst v1  }
0x18: {  	[tilespmem:$0xF070] =	vst v0  }
0x19: {  	[spmem:s6] =	stream.linear.scatter [tilespmem:s15], [sflag:$0x3], $0x80, $0x38;
	[tilespmem:$0xF180] =	vst v63  }
0x1a: {  	_ =	swait.ge [sflag:s16], $0x80  }
0x1b: {  	[sflag:s16] =	ssyncset.done $0x0  }
0x1c: {  	[sflag:s16] =	ssyncadd.s32 $0xFFFFFF80  }
0x1d: {  	s18 =	simm.s32 @!p0 $0xF080;
	[bflag:$0x0] =	sbarrier.arrive $0xFFFF  }
0x1e: {  	[tilespmem:s18], [sflag:$0x3] =	stream.linear.gather @!p0 [spmem:s9], $0x80, $0x38;
	[tilespmem:$0xF180] =	vst v63  }
0x1f: {  	s18 =	simm.s32 @!p0 $0x3  }
0x20: {  	_ =	swait.ge @!p0 [sflag:s18], $0x80  }
0x21: {  	[sflag:s18] =	ssyncset.done @!p0 $0x0  }
0x22: {  	[sflag:s18] =	ssyncadd.s32 @!p0 $0xFFFFFF80  }
0x23: {  	v0 =	vld @!p0 [tilespmem:$0xF000]  }
0x24: {  	v1 =	vld @!p0 [tilespmem:$0xF080]  }
0x25: {  	v2 =	vld @!p0 [tilespmem:$0xF010]  }
0x26: {  	v3 =	vld @!p0 [tilespmem:$0xF090]  }
0x27: {  	v4 =	vld @!p0 [tilespmem:$0xF020]  }
0x28: {  	v5 =	vld @!p0 [tilespmem:$0xF0A0]  }
0x29: {  	v6 =	vld @!p0 [tilespmem:$0xF030]  }
0x2a: {  	v7 =	vld @!p0 [tilespmem:$0xF0B0]  }
0x2b: {  	v8 =	vld @!p0 [tilespmem:$0xF040]  }
0x2c: {  	v9 =	vld @!p0 [tilespmem:$0xF0C0]  }
0x2d: {  	v10 =	vld @!p0 [tilespmem:$0xF050]  }
0x2e: {  	v11 =	vld @!p0 [tilespmem:$0xF0D0]  }
0x2f: {  	v12 =	vld @!p0 [tilespmem:$0xF060]  }
0x30: {  	v0 =	vmax.f32 @!p0 v0, v1;
	v1 =	vld @!p0 [tilespmem:$0xF0E0]  }
0x31: {  	[tilespmem:$0xF000] =	vst @!p0 v0;
	v0 =	vmax.f32 @!p0 v2, v3;
	v2 =	vld @!p0 [tilespmem:$0xF070]  }
0x32: {  	v3 =	vld @!p0 [tilespmem:$0xF0F0];
	[tilespmem:$0xF010] =	vst @!p0 v0;
	v0 =	vmax.f32 @!p0 v4, v5  }
0x33: {  	[tilespmem:$0xF020] =	vst @!p0 v0;
	v0 =	vmax.f32 @!p0 v6, v7  }
0x34: {  	[tilespmem:$0xF030] =	vst @!p0 v0;
	v0 =	vmax.f32 @!p0 v8, v9  }
0x35: {  	[tilespmem:$0xF040] =	vst @!p0 v0;
	v0 =	vmax.f32 @!p0 v10, v11  }
0x36: {  	s17 =	sadd.s32 $0x1, s17;
	[tilespmem:$0xF050] =	vst @!p0 v0;
	v0 =	vmax.f32 @!p0 v12, v1  }
0x37: {  	p1 =	sne.s32 s17, s11;
	[tilespmem:$0xF060] =	vst @!p0 v0;
	v0 =	vmax.f32 @!p0 v2, v3  }
.Ltmp1:
0x38: {  	s19 =	simm.s32 @!p0 $0x0;
	s20 =	simm.s32 @!p0 $0xF000;
	[tilespmem:$0xF070] =	vst @!p0 v0;
	(pc) =	sbr.rel @!p1 .LBB2_9-.Ltmp1, $4  }
0x39: {  	[hbm4b:s10+s19] =	stream.linear.scatter @!p0 [tilespmem:s20], [sflag:$0x3], $0x80, $0x38;
	[tilespmem:$0xF180] =	vst v63  }
0x3a: {  	_ =	swait.ge @!p0 [sflag:s18], $0x80  }
0x3b: {  	[sflag:s18] =	ssyncset.done @!p0 $0x0  }
0x3c: {  	[sflag:s18] =	ssyncadd.s32 @!p0 $0xFFFFFF80  }
.LBB2_1:
0x3d: {  	[tilespmem:s3], [sflag:$0x1] =	stream.linear.gather [hbm4b:s4+s3], $0x7800, $0x38;
	v0 =	vimm.f32 $-Inf;
	v1 =	vimm.f32 $-Inf;
	[tilespmem:$0xF180] =	vst v63  }
0x3e: {  	v2 =	vimm.f32 $-Inf;
	v3 =	vimm.f32 $-Inf;
	v4 =	vimm.f32 $-Inf;
	s18 =	simm.s32 $0x0  }
0x3f: {  	v5 =	vimm.f32 $-Inf;
	v6 =	vimm.f32 $-Inf;
	v7 =	vimm.f32 $-Inf;
	[tilespmem:s12], [sflag:$0x2] =	stream.linear.gather [hbm4b:s5+s3], $0x7800, $0x38;
	[tilespmem:$0xF180] =	vst v63  }
.LBB2_2:
0x40: {  	_ =	swait.ge [sflag:s13], $0x7800  }
0x41: {  	[sflag:s13] =	ssyncset.done $0x0  }
0x42: {  	s19 =	simm.s32 $0x0;
	[sflag:s13] =	ssyncadd.s32 $0xFFFF8800  }
0x43: {  	v12 =	vld [tilespmem:s19+$0x80]  }
0x44: {  	v13 =	vld [tilespmem:s19+$0x90]  }
0x45: {  	v10 =	vld [tilespmem:s19+$0xA0]  }
0x46: {  	v11 =	vld [tilespmem:s19+$0xB0]  }
0x47: {  	v14 =	vld [tilespmem:s19+$0xC0]  }
0x48: {  	v8 =	vld [tilespmem:s19+$0xD0]  }
0x49: {  	v9 =	vld [tilespmem:s19+$0xE0]  }
0x4a: {  	v27 =	vld [tilespmem:s19+$0x0]  }
0x4b: {  	v28 =	vld [tilespmem:s19+$0x10]  }
0x4c: {  	v24 =	vld [tilespmem:s19+$0x20]  }
0x4d: {  	v25 =	vld [tilespmem:s19+$0x30]  }
0x4e: {  	v26 =	vld [tilespmem:s19+$0x40]  }
0x4f: {  	v22 =	vld [tilespmem:s19+$0x50]  }
0x50: {  	s20 =	simm.s32 $0x400;
	v23 =	vld [tilespmem:s19+$0x60]  }
.LBB2_3:
0x51: {  	p1 =	sne.s32 s20, $0x1DC00;
	v15 =	vld [tilespmem:s19+$0x70]  }
0x52: {  	v7 =	vmax.f32 v7, v27;
	v6 =	vmax.f32 v6, v28;
	v16 =	vld [tilespmem:s19+$0xF0];
	s19 =	sshra.s32 s20, $0x2  }
0x53: {  	v7 =	vmax.f32 v7, v12;
	v6 =	vmax.f32 v6, v13;
	v12 =	vld [tilespmem:s19+$0x80]  }
0x54: {  	v5 =	vmax.f32 v5, v24;
	v4 =	vmax.f32 v4, v25;
	v3 =	vmax.f32 v3, v26;
	v13 =	vld [tilespmem:s19+$0x90]  }
0x55: {  	v5 =	vmax.f32 v5, v10;
	v4 =	vmax.f32 v4, v11;
	v3 =	vmax.f32 v3, v14;
	v10 =	vld [tilespmem:s19+$0xA0]  }
0x56: {  	v2 =	vmax.f32 v2, v22;
	v1 =	vmax.f32 v1, v23;
	v11 =	vld [tilespmem:s19+$0xB0];
	v0 =	vmax.f32 v0, v15  }
0x57: {  	v2 =	vmax.f32 v2, v8;
	v1 =	vmax.f32 v1, v9;
	v14 =	vld [tilespmem:s19+$0xC0];
	v0 =	vmax.f32 v0, v16  }
0x58: {  	v8 =	vld [tilespmem:s19+$0xD0]  }
0x59: {  	v9 =	vld [tilespmem:s19+$0xE0]  }
0x5a: {  	v27 =	vld [tilespmem:s19+$0x0]  }
0x5b: {  	v28 =	vld [tilespmem:s19+$0x10]  }
.Ltmp2:
0x5c: {  	v24 =	vld [tilespmem:s19+$0x20];
	(pc) =	sbr.rel @p1 .LBB2_3-.Ltmp2, $4  }
0x5d: {  	v25 =	vld [tilespmem:s19+$0x30]  }
0x5e: {  	v26 =	vld [tilespmem:s19+$0x40]  }
0x5f: {  	v22 =	vld [tilespmem:s19+$0x50]  }
0x60: {  	s20 =	sadd.s32 $0x400, s20;
	v23 =	vld [tilespmem:s19+$0x60]  }
0x61: {  	p1 =	seq.s32 s18, $0x3  }
0x62: {  	s20 =	smul.u32 @!p1 $0xF000, s18;
	_ =	sdelay $0x1  }
0x63: {  	s20 =	sadd.s32 @!p1 s20, s7  }
0x64: {  	v30 =	vld [tilespmem:s19+$0x70];
	s20 =	sshrl.u32 @!p1 s20, $0x3  }
0x65: {  	v31 =	vld [tilespmem:s19+$0xF0];
	s19 =	sadd.s32 @!p1 s1, s20;
	s20 =	simm.s32 @!p1 $0x0  }
0x66: {  	[tilespmem:s20], [sflag:$0x1] =	stream.linear.gather @!p1 [hbm4b:s19+s20], $0x7800, $0x38;
	[tilespmem:$0xF180] =	vst v63  }
0x67: {  	_ =	swait.ge [sflag:s14], $0x7800  }
0x68: {  	[sflag:s14] =	ssyncset.done $0x0  }
0x69: {  	s19 =	simm.s32 $0x0;
	[sflag:s14] =	ssyncadd.s32 $0xFFFF8800  }
0x6a: {  	v19 =	vld [tilespmem:s19+$0x7880]  }
0x6b: {  	v20 =	vld [tilespmem:s19+$0x7890]  }
0x6c: {  	v15 =	vld [tilespmem:s19+$0x78A0]  }
0x6d: {  	v18 =	vld [tilespmem:s19+$0x78B0]  }
0x6e: {  	v21 =	vld [tilespmem:s19+$0x78C0]  }
0x6f: {  	v16 =	vld [tilespmem:s19+$0x78D0]  }
0x70: {  	v17 =	vld [tilespmem:s19+$0x78E0]  }
0x71: {  	v29 =	vld [tilespmem:s19+$0x7800]  }
0x72: {  	v7 =	vmax.f32 v7, v27;
	v27 =	vld [tilespmem:s19+$0x7810]  }
0x73: {  	v28 =	vmax.f32 v6, v28;
	v5 =	vmax.f32 v5, v24;
	v6 =	vmax.f32 v7, v12;
	v12 =	vld [tilespmem:s19+$0x7820]  }
0x74: {  	v7 =	vmax.f32 v28, v13;
	v4 =	vmax.f32 v4, v25;
	v24 =	vmax.f32 v3, v26;
	v13 =	vld [tilespmem:s19+$0x7830]  }
0x75: {  	v3 =	vmax.f32 v5, v10;
	v4 =	vmax.f32 v4, v11;
	v5 =	vmax.f32 v24, v14;
	v11 =	vld [tilespmem:s19+$0x7840]  }
0x76: {  	v2 =	vmax.f32 v2, v22;
	v1 =	vmax.f32 v1, v23;
	v14 =	vmax.f32 v0, v30;
	v10 =	vld [tilespmem:s19+$0x7850]  }
0x77: {  	v0 =	vmax.f32 v2, v8;
	v1 =	vmax.f32 v1, v9;
	v2 =	vmax.f32 v14, v31;
	s20 =	simm.s32 $0x400;
	v8 =	vld [tilespmem:s19+$0x7860]  }
.LBB2_5:
0x78: {  	p2 =	sne.s32 s20, $0x1DC00;
	v9 =	vld [tilespmem:s19+$0x7870]  }
0x79: {  	v6 =	vmax.f32 v6, v29;
	v7 =	vmax.f32 v7, v27;
	v14 =	vld [tilespmem:s19+$0x78F0];
	s19 =	sshra.s32 s20, $0x2  }
0x7a: {  	v6 =	vmax.f32 v6, v19;
	v7 =	vmax.f32 v7, v20;
	v19 =	vld [tilespmem:s19+$0x7880]  }
0x7b: {  	v3 =	vmax.f32 v3, v12;
	v4 =	vmax.f32 v4, v13;
	v5 =	vmax.f32 v5, v11;
	v20 =	vld [tilespmem:s19+$0x7890]  }
0x7c: {  	v3 =	vmax.f32 v3, v15;
	v4 =	vmax.f32 v4, v18;
	v5 =	vmax.f32 v5, v21;
	v15 =	vld [tilespmem:s19+$0x78A0]  }
0x7d: {  	v0 =	vmax.f32 v0, v10;
	v1 =	vmax.f32 v1, v8;
	v18 =	vld [tilespmem:s19+$0x78B0];
	v2 =	vmax.f32 v2, v9  }
0x7e: {  	v0 =	vmax.f32 v0, v16;
	v1 =	vmax.f32 v1, v17;
	v21 =	vld [tilespmem:s19+$0x78C0];
	v2 =	vmax.f32 v2, v14  }
0x7f: {  	v16 =	vld [tilespmem:s19+$0x78D0]  }
0x80: {  	v17 =	vld [tilespmem:s19+$0x78E0]  }
0x81: {  	v29 =	vld [tilespmem:s19+$0x7800]  }
0x82: {  	v27 =	vld [tilespmem:s19+$0x7810]  }
.Ltmp3:
0x83: {  	v12 =	vld [tilespmem:s19+$0x7820];
	(pc) =	sbr.rel @p2 .LBB2_5-.Ltmp3, $4  }
0x84: {  	v13 =	vld [tilespmem:s19+$0x7830]  }
0x85: {  	v11 =	vld [tilespmem:s19+$0x7840]  }
0x86: {  	v10 =	vld [tilespmem:s19+$0x7850]  }
0x87: {  	s20 =	sadd.s32 $0x400, s20;
	v8 =	vld [tilespmem:s19+$0x7860]  }
0x88: {  	v9 =	vld [tilespmem:s19+$0x7870]  }
0x89: {  	v6 =	vmax.f32 v6, v29;
	v22 =	vld [tilespmem:s19+$0x78F0]  }
.Ltmp4:
0x8a: {  	v14 =	vmax.f32 v7, v27;
	v3 =	vmax.f32 v3, v12;
	v7 =	vmax.f32 v6, v19;
	(pc) =	sbr.rel @p1 .LBB2_8-.Ltmp4, $4  }
0x8b: {  	v6 =	vmax.f32 v14, v20;
	v4 =	vmax.f32 v4, v13;
	v11 =	vmax.f32 v5, v11  }
0x8c: {  	v5 =	vmax.f32 v3, v15;
	v4 =	vmax.f32 v4, v18;
	v3 =	vmax.f32 v11, v21  }
0x8d: {  	v0 =	vmax.f32 v0, v10;
	v1 =	vmax.f32 v1, v8;
	v8 =	vmax.f32 v2, v9  }
0x8e: {  	v2 =	vmax.f32 v0, v16;
	v1 =	vmax.f32 v1, v17;
	v0 =	vmax.f32 v8, v22  }
0x8f: {  	s19 =	smul.u32 $0xF000, s18  }
.Ltmp5:
0x90: {  	_ = 	snop;
	(pc) =	sbr.rel .LBB2_2-.Ltmp5, $4  }
0x91: {  	s19 =	sadd.s32 s19, s8  }
0x92: {  	s19 =	sshrl.u32 s19, $0x3  }
0x93: {  	s18 =	sadd.s32 $0x1, s18;
	s19 =	sadd.s32 s1, s19  }
0x94: {  	[tilespmem:s12], [sflag:$0x2] =	stream.linear.gather [hbm4b:s19+s3], $0x7800, $0x38;
	[tilespmem:$0xF180] =	vst v63  }
.LBB2_9:
0x95: {  	_ =	sfence.sel $0x180000  }
0x96: {  	[bflag:$0x0] =	sbarrier.arrive $0xFFFF  }
0x97: {  	p0 =	sne.s32 s0, $0x0;
	_ =	strace $0x90000047  }
0x98: {  	s0 =	sadd.s32 @!p0 $0x100000, s2;
	[bflag:$0x2] =	sbarrier.arrive $0xFFFF  }
0x99: {  	[sflag:s0] =	ssyncadd.tile.s32 @!p0 $0x1;
	_ =	shalt  }
.Lfunc_end2:
_tile_overlayer_lowered:
.L_overlay_start_2:
0x9a: {  	(tag) =	ssettag $0x2  }
0x9b: {  	s0 =	rddreg [dreg:$0x0];
	s2 =	stileid.u32  }
0x9c: {  	s1 =	rddreg [dreg:$0x1];
	p0 =	sne.s32 s2, $0x0  }
0x9d: {  	s3 =	rddreg [dreg:$0x2];
	[bflag:$0x3] =	sbarrier.arrive $0xFFFF;
	s2 =	simm.s32 @!p0 $0x1C03  }
0x9e: {  	[timem:s3], [sflag:s2] =	dma.local @!p0 [hbm:s0], s1  }
0x9f: {  	s0 =	simm.s32 @!p0 $0x3  }
0xa0: {  	_ =	swait.ge @!p0 [sflag:s0], s1  }
0xa1: {  	s1 =	ssub.s32 @!p0 $0x0, s1;
	[sflag:s0] =	ssyncset.done @!p0 $0x0  }
0xa2: {  	[sflag:s0] =	ssyncadd.s32 @!p0 s1  }
0xa3: {  	[bflag:$0x3] =	sbarrier.arrive $0xFFFF  }
0xa4: {  	_ =	shalt  }

</sc_bundles>
